<compile_context>
chip_gen: v7x
topology: tpu7x:2x2x1
jax: 0.10.2.dev20260603
libtpu: 0.0.44.dev20260713+nightly
codegen_flags: <defaults>
</compile_context>

<pallas_src>
import functools

import jax
import jax.numpy as jnp
from jax import lax
from jax.experimental import pallas as pl
from jax.experimental.pallas import tpu as pltpu
from jax.experimental.pallas import tpu_sc as plsc

_NC = 2
_NS = 16
_NW = _NC * _NS


def _sc_gather_pair(user_table, book_table, user_id, isbn_id):
    B = user_id.shape[0]
    D = user_table.shape[1]
    bpw = B // _NW
    mesh = plsc.VectorSubcoreMesh(core_axis_name="c", subcore_axis_name="s")
    row_ty = jax.ShapeDtypeStruct((B, D), user_table.dtype)

    CH = 64
    G = 8

    @functools.partial(
        pl.kernel,
        mesh=mesh,
        out_type=(row_ty, row_ty),
        scratch_types=[
            pltpu.VMEM((bpw,), jnp.int32),
            pltpu.VMEM((bpw,), jnp.int32),
            pltpu.VMEM((bpw // 2, D), jnp.float32),
            pltpu.VMEM((bpw // 2, D), jnp.float32),
            pltpu.SemaphoreType.DMA,
            pltpu.SemaphoreType.DMA,
        ],
    )
    def k(ut_hbm, bt_hbm, uid_hbm, bid_hbm, uout_hbm, bout_hbm,
          uidx_v, bidx_v, urows_v, brows_v, usem, bsem):
        wid = lax.axis_index("s") * _NC + lax.axis_index("c")
        base = wid * bpw
        L = 16

        half = bpw // 2
        pltpu.sync_copy(uid_hbm.at[pl.ds(base, bpw)], uidx_v)
        pltpu.sync_copy(bid_hbm.at[pl.ds(base, bpw)], bidx_v)

        @pl.loop(0, bpw, step=half)
        def _(c):
            @pl.loop(0, half, step=L)
            def _(j):
                vu = uidx_v[pl.ds(c + j, L)]
                vb = bidx_v[pl.ds(c + j, L)]
                for t in range(L):
                    pltpu.async_copy(
                        ut_hbm.at[vu[t]], urows_v.at[j + t], usem)
                    pltpu.async_copy(
                        bt_hbm.at[vb[t]], brows_v.at[j + t], bsem)

            @pl.loop(0, half)
            def _(j):
                pltpu.make_async_copy(
                    ut_hbm.at[0], urows_v.at[0], usem).wait()
                pltpu.make_async_copy(
                    bt_hbm.at[0], brows_v.at[0], bsem).wait()

            pltpu.sync_copy(urows_v, uout_hbm.at[pl.ds(base + c, half)])
            pltpu.sync_copy(brows_v, bout_hbm.at[pl.ds(base + c, half)])

    return k(user_table, book_table, user_id, isbn_id)


def _mlp_body(u_ref, b_ref, w1_ref, b1_ref, w2_ref, b2_ref,
              w3t_ref, b3_ref, o_ref):
    d = u_ref.shape[1]
    h = (
        jnp.dot(u_ref[...], w1_ref[:d], preferred_element_type=jnp.float32)
        + jnp.dot(b_ref[...], w1_ref[d:], preferred_element_type=jnp.float32)
        + b1_ref[...]
    )
    h = jnp.maximum(h, 0.0)
    h = jnp.dot(h, w2_ref[...], preferred_element_type=jnp.float32) + b2_ref[...]
    h = jnp.maximum(h, 0.0)
    o_ref[...] = (
        lax.dot_general(w3t_ref[...], h, (((1,), (1,)), ((), ())),
                        preferred_element_type=jnp.float32)
        + b3_ref[...]
    )


def _tc_mlp(u, b, W1, b1, W2, b2, W3, b3, block_b=2048):
    B = u.shape[0]
    D = W1.shape[0] // 2
    H1 = W1.shape[1]
    H2 = W2.shape[1]
    b1r = b1.reshape(1, H1)
    b2r = b2.reshape(1, H2)
    w3t = W3.reshape(1, H2)
    b3r = b3.reshape(1, 1)
    grid = (B // block_b,)

    def full(shape):
        return pl.BlockSpec(shape, lambda i: (0, 0))

    out = pl.pallas_call(
        _mlp_body,
        grid=grid,
        in_specs=[
            pl.BlockSpec((block_b, D), lambda i: (i, 0)),
            pl.BlockSpec((block_b, D), lambda i: (i, 0)),
            full((2 * D, H1)),
            full((1, H1)),
            full((H1, H2)),
            full((1, H2)),
            full((1, H2)),
            full((1, 1)),
        ],
        out_specs=pl.BlockSpec((1, block_b), lambda i: (0, i)),
        out_shape=jax.ShapeDtypeStruct((1, B), jnp.float32),
    )(u, b, W1, b1r, W2, b2r, w3t, b3r)
    return out.reshape(B, 1)


def kernel(user_id, isbn_id, user_table, book_table, W1, b1, W2, b2, W3, b3):
    u_rows, b_rows = _sc_gather_pair(
        user_table, book_table,
        user_id.astype(jnp.int32), isbn_id.astype(jnp.int32))
    return _tc_mlp(u_rows, b_rows, W1, b1, W2, b2, W3, b3)

# --- scband reference (transcript-rebuilt; emitter-appended) ---
"""Pipeline reference for scband-ranking-model-781684048695 (READ-ONLY COPY).

The authoritative reference and input builder live on the scoring server;
editing this copy changes nothing except your own understanding.
"""

import jax, jax.numpy as jnp
import numpy as np

B = 16384
NUM_USERS = 100000
NUM_BOOKS = 1000000
D = 64


def setup_inputs(seed: int = 0) -> dict:
    key = jax.random.key(seed)
    ks = jax.random.split(key, 10)
    user_id = jax.random.randint(ks[0], (B,), 0, NUM_USERS)
    isbn_id = jax.random.randint(ks[1], (B,), 0, NUM_BOOKS)
    # Embedding tables (vocab+1 rows, matching Keras IntegerLookup/StringLookup + Embedding(len+1))
    user_table = jax.random.normal(ks[2], (NUM_USERS + 1, D), dtype=jnp.float32) * 0.05
    book_table = jax.random.normal(ks[3], (NUM_BOOKS + 1, D), dtype=jnp.float32) * 0.05
    # Ratings MLP: Dense(256, relu) -> Dense(64, relu) -> Dense(1)
    W1 = jax.random.normal(ks[4], (2 * D, 256), dtype=jnp.float32) * 0.05
    b1 = jnp.zeros((256,), dtype=jnp.float32)
    W2 = jax.random.normal(ks[5], (256, 64), dtype=jnp.float32) * 0.05
    b2 = jnp.zeros((64,), dtype=jnp.float32)
    W3 = jax.random.normal(ks[6], (64, 1), dtype=jnp.float32) * 0.05
    b3 = jnp.zeros((1,), dtype=jnp.float32)
    return {
        "user_id": user_id,
        "isbn_id": isbn_id,
        "user_table": user_table,
        "book_table": book_table,
        "W1": W1, "b1": b1,
        "W2": W2, "b2": b2,
        "W3": W3, "b3": b3,
    }


def reference(user_id, isbn_id, user_table, book_table, W1, b1, W2, b2, W3, b3):
    # Embedding lookups (IntegerLookup/StringLookup collapse to direct index lookup)
    user_embedding = jnp.take(user_table, user_id, axis=0)   # [B, D]
    book_embedding = jnp.take(book_table, isbn_id, axis=0)   # [B, D]
    h = jnp.concatenate([user_embedding, book_embedding], axis=1)  # [B, 2D]
    h = jax.nn.relu(h @ W1 + b1)
    h = jax.nn.relu(h @ W2 + b2)
    out = h @ W3 + b3  # [B, 1]
    return out

if __name__ == "__main__":
    import jax
    _d = setup_inputs()
    print(jax.jit(kernel)(*tuple(_d.values())))

</pallas_src>

<mosaic_0001>
#map = affine_map<(d0, d1) -> (0, 0)>
#map1 = affine_map<(d0, d1) -> (0)>
module attributes {stable_mosaic.version = 14 : i64} {
  func.func @k(%arg0: i32, %arg1: i32, %arg2: memref<100001x64xf32, #tpu.memory_space<hbm>>, %arg3: memref<1000001x64xf32, #tpu.memory_space<hbm>>, %arg4: memref<16384xi32, #tpu.memory_space<hbm>>, %arg5: memref<16384xi32, #tpu.memory_space<hbm>>, %arg6: memref<16384x64xf32, #tpu.memory_space<hbm>>, %arg7: memref<16384x64xf32, #tpu.memory_space<hbm>>, %arg8: memref<512xi32, #tpu.memory_space<vmem>>, %arg9: memref<512xi32, #tpu.memory_space<vmem>>, %arg10: memref<256x64xf32, #tpu.memory_space<vmem>>, %arg11: memref<256x64xf32, #tpu.memory_space<vmem>>, %arg12: memref<!tpu.dma_semaphore, #tpu.memory_space<semaphore_mem>>, %arg13: memref<!tpu.dma_semaphore, #tpu.memory_space<semaphore_mem>>) attributes {dimension_semantics = [#tpu.dimension_semantics<core_parallel>, #tpu.dimension_semantics<subcore_parallel>], iteration_bounds = array<i64: 2, 16>, scalar_prefetch = 0 : i64, scratch_operands = 6 : i64, tpu.core_type = #tpu.core_type<sc_vector_subcore>, window_params = [{transform_indices = #map}, {transform_indices = #map}, {transform_indices = #map1}, {transform_indices = #map1}, {transform_indices = #map}, {transform_indices = #map}]} {
    %mul3A = arith.constant 2 : i32
    %mul3A_0 = arith.muli %arg1, %mul3A : i32
    %add3A = arith.addi %mul3A_0, %arg0 : i32
    %mul3A_1 = arith.constant 512 : i32
    %mul3A_2 = arith.muli %add3A, %mul3A_1 : i32
    "tpu.region"() ({
      %run_scoped3A = tpu.sem_alloc : memref<!tpu.dma_semaphore, #tpu.memory_space<semaphore_mem>>
      %dma_start3A = tpu.memref_slice %arg4[%mul3A_2] : memref<16384xi32, #tpu.memory_space<hbm>> -> memref<512xi32, #tpu.memory_space<hbm>>
      %dma_start3A_7 = tpu.memref_slice %arg4[%mul3A_2] : memref<16384xi32, #tpu.memory_space<hbm>> -> memref<512xi32, #tpu.memory_space<hbm>>
      tpu.enqueue_dma source(%dma_start3A_7 : memref<512xi32, #tpu.memory_space<hbm>>) target(%arg8 : memref<512xi32, #tpu.memory_space<vmem>>) target_semaphore(%run_scoped3A : memref<!tpu.dma_semaphore, #tpu.memory_space<semaphore_mem>>)
      %dma_wait3A = tpu.memref_slice %arg4[%mul3A_2] : memref<16384xi32, #tpu.memory_space<hbm>> -> memref<512xi32, #tpu.memory_space<hbm>>
      %dma_wait3A_8 = tpu.memref_slice %arg4[%mul3A_2] : memref<16384xi32, #tpu.memory_space<hbm>> -> memref<512xi32, #tpu.memory_space<hbm>>
      tpu.wait_dma2 semaphore(%run_scoped3A : memref<!tpu.dma_semaphore, #tpu.memory_space<semaphore_mem>>) src(%dma_wait3A_8 : memref<512xi32, #tpu.memory_space<hbm>>) dst(%arg8 : memref<512xi32, #tpu.memory_space<vmem>>)
      tpu.yield
    }) : () -> ()
    "tpu.region"() ({
      %run_scoped3A = tpu.sem_alloc : memref<!tpu.dma_semaphore, #tpu.memory_space<semaphore_mem>>
      %dma_start3A = tpu.memref_slice %arg5[%mul3A_2] : memref<16384xi32, #tpu.memory_space<hbm>> -> memref<512xi32, #tpu.memory_space<hbm>>
      %dma_start3A_7 = tpu.memref_slice %arg5[%mul3A_2] : memref<16384xi32, #tpu.memory_space<hbm>> -> memref<512xi32, #tpu.memory_space<hbm>>
      tpu.enqueue_dma source(%dma_start3A_7 : memref<512xi32, #tpu.memory_space<hbm>>) target(%arg9 : memref<512xi32, #tpu.memory_space<vmem>>) target_semaphore(%run_scoped3A : memref<!tpu.dma_semaphore, #tpu.memory_space<semaphore_mem>>)
      %dma_wait3A = tpu.memref_slice %arg5[%mul3A_2] : memref<16384xi32, #tpu.memory_space<hbm>> -> memref<512xi32, #tpu.memory_space<hbm>>
      %dma_wait3A_8 = tpu.memref_slice %arg5[%mul3A_2] : memref<16384xi32, #tpu.memory_space<hbm>> -> memref<512xi32, #tpu.memory_space<hbm>>
      tpu.wait_dma2 semaphore(%run_scoped3A : memref<!tpu.dma_semaphore, #tpu.memory_space<semaphore_mem>>) src(%dma_wait3A_8 : memref<512xi32, #tpu.memory_space<hbm>>) dst(%arg9 : memref<512xi32, #tpu.memory_space<vmem>>)
      tpu.yield
    }) : () -> ()
    %scan3A = arith.constant 0 : i32
    %scan3A_3 = arith.constant 2 : i32
    %scan3A_4 = arith.addi %scan3A, %scan3A_3 : i32
    %scan3A_5 = arith.constant 1 : i32
    scf.for %scan3A_7 = %scan3A to %scan3A_4 step %scan3A_5  : i32 {
      %mul3A_8 = arith.constant 256 : i32
      %mul3A_9 = arith.muli %scan3A_7, %mul3A_8 : i32
      %add3A_10 = arith.constant 0 : i32
      %add3A_11 = arith.addi %add3A_10, %mul3A_9 : i32
      %scan3A_12 = arith.constant 0 : i32
      %scan3A_13 = arith.constant 16 : i32
      %scan3A_14 = arith.addi %scan3A_12, %scan3A_13 : i32
      %scan3A_15 = arith.constant 1 : i32
      scf.for %scan3A_24 = %scan3A_12 to %scan3A_14 step %scan3A_15  : i32 {
        %mul3A_25 = arith.constant 16 : i32
        %mul3A_26 = arith.muli %scan3A_24, %mul3A_25 : i32
        %add3A_27 = arith.constant 0 : i32
        %add3A_28 = arith.addi %add3A_27, %mul3A_26 : i32
        %add3A_29 = arith.addi %add3A_11, %add3A_28 : i32
        %get3A = arith.index_cast %add3A_29 : i32 to index
        %get3A_30 = tpu.vector_load %arg8[%get3A] {strides = array<i32>} : memref<512xi32, #tpu.memory_space<vmem>>, vector<16xi32>,
        %get3A_31 = vector.shape_cast %get3A_30 : vector<16xi32> to vector<16xi32>
        %add3A_32 = arith.addi %add3A_11, %add3A_28 : i32
        %get3A_33 = arith.index_cast %add3A_32 : i32 to index
        %get3A_34 = tpu.vector_load %arg9[%get3A_33] {strides = array<i32>} : memref<512xi32, #tpu.memory_space<vmem>>, vector<16xi32>,
        %get3A_35 = vector.shape_cast %get3A_34 : vector<16xi32> to vector<16xi32>
        %slice3A = vector.extract_strided_slice %get3A_31 {offsets = [0], sizes = [1], strides = [1]} : vector<16xi32> to vector<1xi32>
        %squeeze3A = vector.extract %slice3A[0] : i32 from vector<1xi32>
        %add3A_36 = arith.constant 0 : i32
        %add3A_37 = arith.addi %add3A_28, %add3A_36 : i32
        %dma_start3A = arith.constant 0 : i32
        %dma_start3A_38 = tpu.memref_slice %arg10[%add3A_37, %dma_start3A] : memref<256x64xf32, #tpu.memory_space<vmem>> -> memref<1x64xf32, #tpu.memory_space<vmem>>
        %dma_start3A_39 = tpu.memref_squeeze %dma_start3A_38 : memref<1x64xf32, #tpu.memory_space<vmem>> -> memref<64xf32, #tpu.memory_space<vmem>>
        %dma_start3A_40 = arith.constant 0 : i32
        %dma_start3A_41 = tpu.memref_slice %arg2[%squeeze3A, %dma_start3A_40] : memref<100001x64xf32, #tpu.memory_space<hbm>> -> memref<1x64xf32, #tpu.memory_space<hbm>>
        %dma_start3A_42 = tpu.memref_squeeze %dma_start3A_41 : memref<1x64xf32, #tpu.memory_space<hbm>> -> memref<64xf32, #tpu.memory_space<hbm>>
        %dma_start3A_43 = arith.constant 0 : i32
        %dma_start3A_44 = tpu.memref_slice %arg10[%add3A_37, %dma_start3A_43] : memref<256x64xf32, #tpu.memory_space<vmem>> -> memref<1x64xf32, #tpu.memory_space<vmem>>
        %dma_start3A_45 = tpu.memref_squeeze %dma_start3A_44 : memref<1x64xf32, #tpu.memory_space<vmem>> -> memref<64xf32, #tpu.memory_space<vmem>>
        %dma_start3A_46 = arith.constant 0 : i32
        %dma_start3A_47 = tpu.memref_slice %arg2[%squeeze3A, %dma_start3A_46] : memref<100001x64xf32, #tpu.memory_space<hbm>> -> memref<1x64xf32, #tpu.memory_space<hbm>>
        %dma_start3A_48 = tpu.memref_squeeze %dma_start3A_47 : memref<1x64xf32, #tpu.memory_space<hbm>> -> memref<64xf32, #tpu.memory_space<hbm>>
        tpu.enqueue_dma source(%dma_start3A_48 : memref<64xf32, #tpu.memory_space<hbm>>) target(%dma_start3A_45 : memref<64xf32, #tpu.memory_space<vmem>>) target_semaphore(%arg12 : memref<!tpu.dma_semaphore, #tpu.memory_space<semaphore_mem>>)
        %slice3A_49 = vector.extract_strided_slice %get3A_35 {offsets = [0], sizes = [1], strides = [1]} : vector<16xi32> to vector<1xi32>
        %squeeze3A_50 = vector.extract %slice3A_49[0] : i32 from vector<1xi32>
        %add3A_51 = arith.constant 0 : i32
        %add3A_52 = arith.addi %add3A_28, %add3A_51 : i32
        %dma_start3A_53 = arith.constant 0 : i32
        %dma_start3A_54 = tpu.memref_slice %arg11[%add3A_52, %dma_start3A_53] : memref<256x64xf32, #tpu.memory_space<vmem>> -> memref<1x64xf32, #tpu.memory_space<vmem>>
        %dma_start3A_55 = tpu.memref_squeeze %dma_start3A_54 : memref<1x64xf32, #tpu.memory_space<vmem>> -> memref<64xf32, #tpu.memory_space<vmem>>
        %dma_start3A_56 = arith.constant 0 : i32
        %dma_start3A_57 = tpu.memref_slice %arg3[%squeeze3A_50, %dma_start3A_56] : memref<1000001x64xf32, #tpu.memory_space<hbm>> -> memref<1x64xf32, #tpu.memory_space<hbm>>
        %dma_start3A_58 = tpu.memref_squeeze %dma_start3A_57 : memref<1x64xf32, #tpu.memory_space<hbm>> -> memref<64xf32, #tpu.memory_space<hbm>>
        %dma_start3A_59 = arith.constant 0 : i32
        %dma_start3A_60 = tpu.memref_slice %arg11[%add3A_52, %dma_start3A_59] : memref<256x64xf32, #tpu.memory_space<vmem>> -> memref<1x64xf32, #tpu.memory_space<vmem>>
        %dma_start3A_61 = tpu.memref_squeeze %dma_start3A_60 : memref<1x64xf32, #tpu.memory_space<vmem>> -> memref<64xf32, #tpu.memory_space<vmem>>
        %dma_start3A_62 = arith.constant 0 : i32
        %dma_start3A_63 = tpu.memref_slice %arg3[%squeeze3A_50, %dma_start3A_62] : memref<1000001x64xf32, #tpu.memory_space<hbm>> -> memref<1x64xf32, #tpu.memory_space<hbm>>
        %dma_start3A_64 = tpu.memref_squeeze %dma_start3A_63 : memref<1x64xf32, #tpu.memory_space<hbm>> -> memref<64xf32, #tpu.memory_space<hbm>>
        tpu.enqueue_dma source(%dma_start3A_64 : memref<64xf32, #tpu.memory_space<hbm>>) target(%dma_start3A_61 : memref<64xf32, #tpu.memory_space<vmem>>) target_semaphore(%arg13 : memref<!tpu.dma_semaphore, #tpu.memory_space<semaphore_mem>>)
        %slice3A_65 = vector.extract_strided_slice %get3A_31 {offsets = [1], sizes = [1], strides = [1]} : vector<16xi32> to vector<1xi32>
        %squeeze3A_66 = vector.extract %slice3A_65[0] : i32 from vector<1xi32>
        %add3A_67 = arith.constant 1 : i32
        %add3A_68 = arith.addi %add3A_28, %add3A_67 : i32
        %dma_start3A_69 = arith.constant 0 : i32
        %dma_start3A_70 = tpu.memref_slice %arg10[%add3A_68, %dma_start3A_69] : memref<256x64xf32, #tpu.memory_space<vmem>> -> memref<1x64xf32, #tpu.memory_space<vmem>>
        %dma_start3A_71 = tpu.memref_squeeze %dma_start3A_70 : memref<1x64xf32, #tpu.memory_space<vmem>> -> memref<64xf32, #tpu.memory_space<vmem>>
        %dma_start3A_72 = arith.constant 0 : i32
        %dma_start3A_73 = tpu.memref_slice %arg2[%squeeze3A_66, %dma_start3A_72] : memref<100001x64xf32, #tpu.memory_space<hbm>> -> memref<1x64xf32, #tpu.memory_space<hbm>>
        %dma_start3A_74 = tpu.memref_squeeze %dma_start3A_73 : memref<1x64xf32, #tpu.memory_space<hbm>> -> memref<64xf32, #tpu.memory_space<hbm>>
        %dma_start3A_75 = arith.constant 0 : i32
        %dma_start3A_76 = tpu.memref_slice %arg10[%add3A_68, %dma_start3A_75] : memref<256x64xf32, #tpu.memory_space<vmem>> -> memref<1x64xf32, #tpu.memory_space<vmem>>
        %dma_start3A_77 = tpu.memref_squeeze %dma_start3A_76 : memref<1x64xf32, #tpu.memory_space<vmem>> -> memref<64xf32, #tpu.memory_space<vmem>>
        %dma_start3A_78 = arith.constant 0 : i32
        %dma_start3A_79 = tpu.memref_slice %arg2[%squeeze3A_66, %dma_start3A_78] : memref<100001x64xf32, #tpu.memory_space<hbm>> -> memref<1x64xf32, #tpu.memory_space<hbm>>
        %dma_start3A_80 = tpu.memref_squeeze %dma_start3A_79 : memref<1x64xf32, #tpu.memory_space<hbm>> -> memref<64xf32, #tpu.memory_space<hbm>>
        tpu.enqueue_dma source(%dma_start3A_80 : memref<64xf32, #tpu.memory_space<hbm>>) target(%dma_start3A_77 : memref<64xf32, #tpu.memory_space<vmem>>) target_semaphore(%arg12 : memref<!tpu.dma_semaphore, #tpu.memory_space<semaphore_mem>>)
        %slice3A_81 = vector.extract_strided_slice %get3A_35 {offsets = [1], sizes = [1], strides = [1]} : vector<16xi32> to vector<1xi32>
        %squeeze3A_82 = vector.extract %slice3A_81[0] : i32 from vector<1xi32>
        %add3A_83 = arith.constant 1 : i32
        %add3A_84 = arith.addi %add3A_28, %add3A_83 : i32
        %dma_start3A_85 = arith.constant 0 : i32
        %dma_start3A_86 = tpu.memref_slice %arg11[%add3A_84, %dma_start3A_85] : memref<256x64xf32, #tpu.memory_space<vmem>> -> memref<1x64xf32, #tpu.memory_space<vmem>>
        %dma_start3A_87 = tpu.memref_squeeze %dma_start3A_86 : memref<1x64xf32, #tpu.memory_space<vmem>> -> memref<64xf32, #tpu.memory_space<vmem>>
        %dma_start3A_88 = arith.constant 0 : i32
        %dma_start3A_89 = tpu.memref_slice %arg3[%squeeze3A_82, %dma_start3A_88] : memref<1000001x64xf32, #tpu.memory_space<hbm>> -> memref<1x64xf32, #tpu.memory_space<hbm>>
        %dma_start3A_90 = tpu.memref_squeeze %dma_start3A_89 : memref<1x64xf32, #tpu.memory_space<hbm>> -> memref<64xf32, #tpu.memory_space<hbm>>
        %dma_start3A_91 = arith.constant 0 : i32
        %dma_start3A_92 = tpu.memref_slice %arg11[%add3A_84, %dma_start3A_91] : memref<256x64xf32, #tpu.memory_space<vmem>> -> memref<1x64xf32, #tpu.memory_space<vmem>>
        %dma_start3A_93 = tpu.memref_squeeze %dma_start3A_92 : memref<1x64xf32, #tpu.memory_space<vmem>> -> memref<64xf32, #tpu.memory_space<vmem>>
        %dma_start3A_94 = arith.constant 0 : i32
        %dma_start3A_95 = tpu.memref_slice %arg3[%squeeze3A_82, %dma_start3A_94] : memref<1000001x64xf32, #tpu.memory_space<hbm>> -> memref<1x64xf32, #tpu.memory_space<hbm>>
        %dma_start3A_96 = tpu.memref_squeeze %dma_start3A_95 : memref<1x64xf32, #tpu.memory_space<hbm>> -> memref<64xf32, #tpu.memory_space<hbm>>
        tpu.enqueue_dma source(%dma_start3A_96 : memref<64xf32, #tpu.memory_space<hbm>>) target(%dma_start3A_93 : memref<64xf32, #tpu.memory_space<vmem>>) target_semaphore(%arg13 : memref<!tpu.dma_semaphore, #tpu.memory_space<semaphore_mem>>)
        %slice3A_97 = vector.extract_strided_slice %get3A_31 {offsets = [2], sizes = [1], strides = [1]} : vector<16xi32> to vector<1xi32>
        %squeeze3A_98 = vector.extract %slice3A_97[0] : i32 from vector<1xi32>
        %add3A_99 = arith.constant 2 : i32
        %add3A_100 = arith.addi %add3A_28, %add3A_99 : i32
        %dma_start3A_101 = arith.constant 0 : i32
        %dma_start3A_102 = tpu.memref_slice %arg10[%add3A_100, %dma_start3A_101] : memref<256x64xf32, #tpu.memory_space<vmem>> -> memref<1x64xf32, #tpu.memory_space<vmem>>
        %dma_start3A_103 = tpu.memref_squeeze %dma_start3A_102 : memref<1x64xf32, #tpu.memory_space<vmem>> -> memref<64xf32, #tpu.memory_space<vmem>>
        %dma_start3A_104 = arith.constant 0 : i32
        %dma_start3A_105 = tpu.memref_slice %arg2[%squeeze3A_98, %dma_start3A_104] : memref<100001x64xf32, #tpu.memory_space<hbm>> -> memref<1x64xf32, #tpu.memory_space<hbm>>
        %dma_start3A_106 = tpu.memref_squeeze %dma_start3A_105 : memref<1x64xf32, #tpu.memory_space<hbm>> -> memref<64xf32, #tpu.memory_space<hbm>>
        %dma_start3A_107 = arith.constant 0 : i32
        %dma_start3A_108 = tpu.memref_slice %arg10[%add3A_100, %dma_start3A_107] : memref<256x64xf32, #tpu.memory_space<vmem>> -> memref<1x64xf32, #tpu.memory_space<vmem>>
        %dma_start3A_109 = tpu.memref_squeeze %dma_start3A_108 : memref<1x64xf32, #tpu.memory_space<vmem>> -> memref<64xf32, #tpu.memory_space<vmem>>
        %dma_start3A_110 = arith.constant 0 : i32
        %dma_start3A_111 = tpu.memref_slice %arg2[%squeeze3A_98, %dma_start3A_110] : memref<100001x64xf32, #tpu.memory_space<hbm>> -> memref<1x64xf32, #tpu.memory_space<hbm>>
        %dma_start3A_112 = tpu.memref_squeeze %dma_start3A_111 : memref<1x64xf32, #tpu.memory_space<hbm>> -> memref<64xf32, #tpu.memory_space<hbm>>
        tpu.enqueue_dma source(%dma_start3A_112 : memref<64xf32, #tpu.memory_space<hbm>>) target(%dma_start3A_109 : memref<64xf32, #tpu.memory_space<vmem>>) target_semaphore(%arg12 : memref<!tpu.dma_semaphore, #tpu.memory_space<semaphore_mem>>)
        %slice3A_113 = vector.extract_strided_slice %get3A_35 {offsets = [2], sizes = [1], strides = [1]} : vector<16xi32> to vector<1xi32>
        %squeeze3A_114 = vector.extract %slice3A_113[0] : i32 from vector<1xi32>
        %add3A_115 = arith.constant 2 : i32
        %add3A_116 = arith.addi %add3A_28, %add3A_115 : i32
        %dma_start3A_117 = arith.constant 0 : i32
        %dma_start3A_118 = tpu.memref_slice %arg11[%add3A_116, %dma_start3A_117] : memref<256x64xf32, #tpu.memory_space<vmem>> -> memref<1x64xf32, #tpu.memory_space<vmem>>
        %dma_start3A_119 = tpu.memref_squeeze %dma_start3A_118 : memref<1x64xf32, #tpu.memory_space<vmem>> -> memref<64xf32, #tpu.memory_space<vmem>>
        %dma_start3A_120 = arith.constant 0 : i32
        %dma_start3A_121 = tpu.memref_slice %arg3[%squeeze3A_114, %dma_start3A_120] : memref<1000001x64xf32, #tpu.memory_space<hbm>> -> memref<1x64xf32, #tpu.memory_space<hbm>>
        %dma_start3A_122 = tpu.memref_squeeze %dma_start3A_121 : memref<1x64xf32, #tpu.memory_space<hbm>> -> memref<64xf32, #tpu.memory_space<hbm>>
        %dma_start3A_123 = arith.constant 0 : i32
        %dma_start3A_124 = tpu.memref_slice %arg11[%add3A_116, %dma_start3A_123] : memref<256x64xf32, #tpu.memory_space<vmem>> -> memref<1x64xf32, #tpu.memory_space<vmem>>
        %dma_start3A_125 = tpu.memref_squeeze %dma_start3A_124 : memref<1x64xf32, #tpu.memory_space<vmem>> -> memref<64xf32, #tpu.memory_space<vmem>>
        %dma_start3A_126 = arith.constant 0 : i32
        %dma_start3A_127 = tpu.memref_slice %arg3[%squeeze3A_114, %dma_start3A_126] : memref<1000001x64xf32, #tpu.memory_space<hbm>> -> memref<1x64xf32, #tpu.memory_space<hbm>>
        %dma_start3A_128 = tpu.memref_squeeze %dma_start3A_127 : memref<1x64xf32, #tpu.memory_space<hbm>> -> memref<64xf32, #tpu.memory_space<hbm>>
        tpu.enqueue_dma source(%dma_start3A_128 : memref<64xf32, #tpu.memory_space<hbm>>) target(%dma_start3A_125 : memref<64xf32, #tpu.memory_space<vmem>>) target_semaphore(%arg13 : memref<!tpu.dma_semaphore, #tpu.memory_space<semaphore_mem>>)
        %slice3A_129 = vector.extract_strided_slice %get3A_31 {offsets = [3], sizes = [1], strides = [1]} : vector<16xi32> to vector<1xi32>
        %squeeze3A_130 = vector.extract %slice3A_129[0] : i32 from vector<1xi32>
        %add3A_131 = arith.constant 3 : i32
        %add3A_132 = arith.addi %add3A_28, %add3A_131 : i32
        %dma_start3A_133 = arith.constant 0 : i32
        %dma_start3A_134 = tpu.memref_slice %arg10[%add3A_132, %dma_start3A_133] : memref<256x64xf32, #tpu.memory_space<vmem>> -> memref<1x64xf32, #tpu.memory_space<vmem>>
        %dma_start3A_135 = tpu.memref_squeeze %dma_start3A_134 : memref<1x64xf32, #tpu.memory_space<vmem>> -> memref<64xf32, #tpu.memory_space<vmem>>
        %dma_start3A_136 = arith.constant 0 : i32
        %dma_start3A_137 = tpu.memref_slice %arg2[%squeeze3A_130, %dma_start3A_136] : memref<100001x64xf32, #tpu.memory_space<hbm>> -> memref<1x64xf32, #tpu.memory_space<hbm>>
        %dma_start3A_138 = tpu.memref_squeeze %dma_start3A_137 : memref<1x64xf32, #tpu.memory_space<hbm>> -> memref<64xf32, #tpu.memory_space<hbm>>
        %dma_start3A_139 = arith.constant 0 : i32
        %dma_start3A_140 = tpu.memref_slice %arg10[%add3A_132, %dma_start3A_139] : memref<256x64xf32, #tpu.memory_space<vmem>> -> memref<1x64xf32, #tpu.memory_space<vmem>>
        %dma_start3A_141 = tpu.memref_squeeze %dma_start3A_140 : memref<1x64xf32, #tpu.memory_space<vmem>> -> memref<64xf32, #tpu.memory_space<vmem>>
        %dma_start3A_142 = arith.constant 0 : i32
        %dma_start3A_143 = tpu.memref_slice %arg2[%squeeze3A_130, %dma_start3A_142] : memref<100001x64xf32, #tpu.memory_space<hbm>> -> memref<1x64xf32, #tpu.memory_space<hbm>>
        %dma_start3A_144 = tpu.memref_squeeze %dma_start3A_143 : memref<1x64xf32, #tpu.memory_space<hbm>> -> memref<64xf32, #tpu.memory_space<hbm>>
        tpu.enqueue_dma source(%dma_start3A_144 : memref<64xf32, #tpu.memory_space<hbm>>) target(%dma_start3A_141 : memref<64xf32, #tpu.memory_space<vmem>>) target_semaphore(%arg12 : memref<!tpu.dma_semaphore, #tpu.memory_space<semaphore_mem>>)
        %slice3A_145 = vector.extract_strided_slice %get3A_35 {offsets = [3], sizes = [1], strides = [1]} : vector<16xi32> to vector<1xi32>
        %squeeze3A_146 = vector.extract %slice3A_145[0] : i32 from vector<1xi32>
        %add3A_147 = arith.constant 3 : i32
        %add3A_148 = arith.addi %add3A_28, %add3A_147 : i32
        %dma_start3A_149 = arith.constant 0 : i32
        %dma_start3A_150 = tpu.memref_slice %arg11[%add3A_148, %dma_start3A_149] : memref<256x64xf32, #tpu.memory_space<vmem>> -> memref<1x64xf32, #tpu.memory_space<vmem>>
        %dma_start3A_151 = tpu.memref_squeeze %dma_start3A_150 : memref<1x64xf32, #tpu.memory_space<vmem>> -> memref<64xf32, #tpu.memory_space<vmem>>
        %dma_start3A_152 = arith.constant 0 : i32
        %dma_start3A_153 = tpu.memref_slice %arg3[%squeeze3A_146, %dma_start3A_152] : memref<1000001x64xf32, #tpu.memory_space<hbm>> -> memref<1x64xf32, #tpu.memory_space<hbm>>
        %dma_start3A_154 = tpu.memref_squeeze %dma_start3A_153 : memref<1x64xf32, #tpu.memory_space<hbm>> -> memref<64xf32, #tpu.memory_space<hbm>>
        %dma_start3A_155 = arith.constant 0 : i32
        %dma_start3A_156 = tpu.memref_slice %arg11[%add3A_148, %dma_start3A_155] : memref<256x64xf32, #tpu.memory_space<vmem>> -> memref<1x64xf32, #tpu.memory_space<vmem>>
        %dma_start3A_157 = tpu.memref_squeeze %dma_start3A_156 : memref<1x64xf32, #tpu.memory_space<vmem>> -> memref<64xf32, #tpu.memory_space<vmem>>
        %dma_start3A_158 = arith.constant 0 : i32
        %dma_start3A_159 = tpu.memref_slice %arg3[%squeeze3A_146, %dma_start3A_158] : memref<1000001x64xf32, #tpu.memory_space<hbm>> -> memref<1x64xf32, #tpu.memory_space<hbm>>
        %dma_start3A_160 = tpu.memref_squeeze %dma_start3A_159 : memref<1x64xf32, #tpu.memory_space<hbm>> -> memref<64xf32, #tpu.memory_space<hbm>>
        tpu.enqueue_dma source(%dma_start3A_160 : memref<64xf32, #tpu.memory_space<hbm>>) target(%dma_start3A_157 : memref<64xf32, #tpu.memory_space<vmem>>) target_semaphore(%arg13 : memref<!tpu.dma_semaphore, #tpu.memory_space<semaphore_mem>>)
        %slice3A_161 = vector.extract_strided_slice %get3A_31 {offsets = [4], sizes = [1], strides = [1]} : vector<16xi32> to vector<1xi32>
        %squeeze3A_162 = vector.extract %slice3A_161[0] : i32 from vector<1xi32>
        %add3A_163 = arith.constant 4 : i32
        %add3A_164 = arith.addi %add3A_28, %add3A_163 : i32
        %dma_start3A_165 = arith.constant 0 : i32
        %dma_start3A_166 = tpu.memref_slice %arg10[%add3A_164, %dma_start3A_165] : memref<256x64xf32, #tpu.memory_space<vmem>> -> memref<1x64xf32, #tpu.memory_space<vmem>>
        %dma_start3A_167 = tpu.memref_squeeze %dma_start3A_166 : memref<1x64xf32, #tpu.memory_space<vmem>> -> memref<64xf32, #tpu.memory_space<vmem>>
        %dma_start3A_168 = arith.constant 0 : i32
        %dma_start3A_169 = tpu.memref_slice %arg2[%squeeze3A_162, %dma_start3A_168] : memref<100001x64xf32, #tpu.memory_space<hbm>> -> memref<1x64xf32, #tpu.memory_space<hbm>>
        %dma_start3A_170 = tpu.memref_squeeze %dma_start3A_169 : memref<1x64xf32, #tpu.memory_space<hbm>> -> memref<64xf32, #tpu.memory_space<hbm>>
        %dma_start3A_171 = arith.constant 0 : i32
        %dma_start3A_172 = tpu.memref_slice %arg10[%add3A_164, %dma_start3A_171] : memref<256x64xf32, #tpu.memory_space<vmem>> -> memref<1x64xf32, #tpu.memory_space<vmem>>
        %dma_start3A_173 = tpu.memref_squeeze %dma_start3A_172 : memref<1x64xf32, #tpu.memory_space<vmem>> -> memref<64xf32, #tpu.memory_space<vmem>>
        %dma_start3A_174 = arith.constant 0 : i32
        %dma_start3A_175 = tpu.memref_slice %arg2[%squeeze3A_162, %dma_start3A_174] : memref<100001x64xf32, #tpu.memory_space<hbm>> -> memref<1x64xf32, #tpu.memory_space<hbm>>
        %dma_start3A_176 = tpu.memref_squeeze %dma_start3A_175 : memref<1x64xf32, #tpu.memory_space<hbm>> -> memref<64xf32, #tpu.memory_space<hbm>>
        tpu.enqueue_dma source(%dma_start3A_176 : memref<64xf32, #tpu.memory_space<hbm>>) target(%dma_start3A_173 : memref<64xf32, #tpu.memory_space<vmem>>) target_semaphore(%arg12 : memref<!tpu.dma_semaphore, #tpu.memory_space<semaphore_mem>>)
        %slice3A_177 = vector.extract_strided_slice %get3A_35 {offsets = [4], sizes = [1], strides = [1]} : vector<16xi32> to vector<1xi32>
        %squeeze3A_178 = vector.extract %slice3A_177[0] : i32 from vector<1xi32>
        %add3A_179 = arith.constant 4 : i32
        %add3A_180 = arith.addi %add3A_28, %add3A_179 : i32
        %dma_start3A_181 = arith.constant 0 : i32
        %dma_start3A_182 = tpu.memref_slice %arg11[%add3A_180, %dma_start3A_181] : memref<256x64xf32, #tpu.memory_space<vmem>> -> memref<1x64xf32, #tpu.memory_space<vmem>>
        %dma_start3A_183 = tpu.memref_squeeze %dma_start3A_182 : memref<1x64xf32, #tpu.memory_space<vmem>> -> memref<64xf32, #tpu.memory_space<vmem>>
        %dma_start3A_184 = arith.constant 0 : i32
        %dma_start3A_185 = tpu.memref_slice %arg3[%squeeze3A_178, %dma_start3A_184] : memref<1000001x64xf32, #tpu.memory_space<hbm>> -> memref<1x64xf32, #tpu.memory_space<hbm>>
        %dma_start3A_186 = tpu.memref_squeeze %dma_start3A_185 : memref<1x64xf32, #tpu.memory_space<hbm>> -> memref<64xf32, #tpu.memory_space<hbm>>
        %dma_start3A_187 = arith.constant 0 : i32
        %dma_start3A_188 = tpu.memref_slice %arg11[%add3A_180, %dma_start3A_187] : memref<256x64xf32, #tpu.memory_space<vmem>> -> memref<1x64xf32, #tpu.memory_space<vmem>>
        %dma_start3A_189 = tpu.memref_squeeze %dma_start3A_188 : memref<1x64xf32, #tpu.memory_space<vmem>> -> memref<64xf32, #tpu.memory_space<vmem>>
        %dma_start3A_190 = arith.constant 0 : i32
        %dma_start3A_191 = tpu.memref_slice %arg3[%squeeze3A_178, %dma_start3A_190] : memref<1000001x64xf32, #tpu.memory_space<hbm>> -> memref<1x64xf32, #tpu.memory_space<hbm>>
        %dma_start3A_192 = tpu.memref_squeeze %dma_start3A_191 : memref<1x64xf32, #tpu.memory_space<hbm>> -> memref<64xf32, #tpu.memory_space<hbm>>
        tpu.enqueue_dma source(%dma_start3A_192 : memref<64xf32, #tpu.memory_space<hbm>>) target(%dma_start3A_189 : memref<64xf32, #tpu.memory_space<vmem>>) target_semaphore(%arg13 : memref<!tpu.dma_semaphore, #tpu.memory_space<semaphore_mem>>)
        %slice3A_193 = vector.extract_strided_slice %get3A_31 {offsets = [5], sizes = [1], strides = [1]} : vector<16xi32> to vector<1xi32>
        %squeeze3A_194 = vector.extract %slice3A_193[0] : i32 from vector<1xi32>
        %add3A_195 = arith.constant 5 : i32
        %add3A_196 = arith.addi %add3A_28, %add3A_195 : i32
        %dma_start3A_197 = arith.constant 0 : i32
        %dma_start3A_198 = tpu.memref_slice %arg10[%add3A_196, %dma_start3A_197] : memref<256x64xf32, #tpu.memory_space<vmem>> -> memref<1x64xf32, #tpu.memory_space<vmem>>
        %dma_start3A_199 = tpu.memref_squeeze %dma_start3A_198 : memref<1x64xf32, #tpu.memory_space<vmem>> -> memref<64xf32, #tpu.memory_space<vmem>>
        %dma_start3A_200 = arith.constant 0 : i32
        %dma_start3A_201 = tpu.memref_slice %arg2[%squeeze3A_194, %dma_start3A_200] : memref<100001x64xf32, #tpu.memory_space<hbm>> -> memref<1x64xf32, #tpu.memory_space<hbm>>
        %dma_start3A_202 = tpu.memref_squeeze %dma_start3A_201 : memref<1x64xf32, #tpu.memory_space<hbm>> -> memref<64xf32, #tpu.memory_space<hbm>>
        %dma_start3A_203 = arith.constant 0 : i32
        %dma_start3A_204 = tpu.memref_slice %arg10[%add3A_196, %dma_start3A_203] : memref<256x64xf32, #tpu.memory_space<vmem>> -> memref<1x64xf32, #tpu.memory_space<vmem>>
        %dma_start3A_205 = tpu.memref_squeeze %dma_start3A_204 : memref<1x64xf32, #tpu.memory_space<vmem>> -> memref<64xf32, #tpu.memory_space<vmem>>
        %dma_start3A_206 = arith.constant 0 : i32
        %dma_start3A_207 = tpu.memref_slice %arg2[%squeeze3A_194, %dma_start3A_206] : memref<100001x64xf32, #tpu.memory_space<hbm>> -> memref<1x64xf32, #tpu.memory_space<hbm>>
        %dma_start3A_208 = tpu.memref_squeeze %dma_start3A_207 : memref<1x64xf32, #tpu.memory_space<hbm>> -> memref<64xf32, #tpu.memory_space<hbm>>
        tpu.enqueue_dma source(%dma_start3A_208 : memref<64xf32, #tpu.memory_space<hbm>>) target(%dma_start3A_205 : memref<64xf32, #tpu.memory_space<vmem>>) target_semaphore(%arg12 : memref<!tpu.dma_semaphore, #tpu.memory_space<semaphore_mem>>)
        %slice3A_209 = vector.extract_strided_slice %get3A_35 {offsets = [5], sizes = [1], strides = [1]} : vector<16xi32> to vector<1xi32>
        %squeeze3A_210 = vector.extract %slice3A_209[0] : i32 from vector<1xi32>
        %add3A_211 = arith.constant 5 : i32
        %add3A_212 = arith.addi %add3A_28, %add3A_211 : i32
        %dma_start3A_213 = arith.constant 0 : i32
        %dma_start3A_214 = tpu.memref_slice %arg11[%add3A_212, %dma_start3A_213] : memref<256x64xf32, #tpu.memory_space<vmem>> -> memref<1x64xf32, #tpu.memory_space<vmem>>
        %dma_start3A_215 = tpu.memref_squeeze %dma_start3A_214 : memref<1x64xf32, #tpu.memory_space<vmem>> -> memref<64xf32, #tpu.memory_space<vmem>>
        %dma_start3A_216 = arith.constant 0 : i32
        %dma_start3A_217 = tpu.memref_slice %arg3[%squeeze3A_210, %dma_start3A_216] : memref<1000001x64xf32, #tpu.memory_space<hbm>> -> memref<1x64xf32, #tpu.memory_space<hbm>>
        %dma_start3A_218 = tpu.memref_squeeze %dma_start3A_217 : memref<1x64xf32, #tpu.memory_space<hbm>> -> memref<64xf32, #tpu.memory_space<hbm>>
        %dma_start3A_219 = arith.constant 0 : i32
        %dma_start3A_220 = tpu.memref_slice %arg11[%add3A_212, %dma_start3A_219] : memref<256x64xf32, #tpu.memory_space<vmem>> -> memref<1x64xf32, #tpu.memory_space<vmem>>
        %dma_start3A_221 = tpu.memref_squeeze %dma_start3A_220 : memref<1x64xf32, #tpu.memory_space<vmem>> -> memref<64xf32, #tpu.memory_space<vmem>>
        %dma_start3A_222 = arith.constant 0 : i32
        %dma_start3A_223 = tpu.memref_slice %arg3[%squeeze3A_210, %dma_start3A_222] : memref<1000001x64xf32, #tpu.memory_space<hbm>> -> memref<1x64xf32, #tpu.memory_space<hbm>>
        %dma_start3A_224 = tpu.memref_squeeze %dma_start3A_223 : memref<1x64xf32, #tpu.memory_space<hbm>> -> memref<64xf32, #tpu.memory_space<hbm>>
        tpu.enqueue_dma source(%dma_start3A_224 : memref<64xf32, #tpu.memory_space<hbm>>) target(%dma_start3A_221 : memref<64xf32, #tpu.memory_space<vmem>>) target_semaphore(%arg13 : memref<!tpu.dma_semaphore, #tpu.memory_space<semaphore_mem>>)
        %slice3A_225 = vector.extract_strided_slice %get3A_31 {offsets = [6], sizes = [1], strides = [1]} : vector<16xi32> to vector<1xi32>
        %squeeze3A_226 = vector.extract %slice3A_225[0] : i32 from vector<1xi32>
        %add3A_227 = arith.constant 6 : i32
        %add3A_228 = arith.addi %add3A_28, %add3A_227 : i32
        %dma_start3A_229 = arith.constant 0 : i32
        %dma_start3A_230 = tpu.memref_slice %arg10[%add3A_228, %dma_start3A_229] : memref<256x64xf32, #tpu.memory_space<vmem>> -> memref<1x64xf32, #tpu.memory_space<vmem>>
        %dma_start3A_231 = tpu.memref_squeeze %dma_start3A_230 : memref<1x64xf32, #tpu.memory_space<vmem>> -> memref<64xf32, #tpu.memory_space<vmem>>
        %dma_start3A_232 = arith.constant 0 : i32
        %dma_start3A_233 = tpu.memref_slice %arg2[%squeeze3A_226, %dma_start3A_232] : memref<100001x64xf32, #tpu.memory_space<hbm>> -> memref<1x64xf32, #tpu.memory_space<hbm>>
        %dma_start3A_234 = tpu.memref_squeeze %dma_start3A_233 : memref<1x64xf32, #tpu.memory_space<hbm>> -> memref<64xf32, #tpu.memory_space<hbm>>
        %dma_start3A_235 = arith.constant 0 : i32
        %dma_start3A_236 = tpu.memref_slice %arg10[%add3A_228, %dma_start3A_235] : memref<256x64xf32, #tpu.memory_space<vmem>> -> memref<1x64xf32, #tpu.memory_space<vmem>>
        %dma_start3A_237 = tpu.memref_squeeze %dma_start3A_236 : memref<1x64xf32, #tpu.memory_space<vmem>> -> memref<64xf32, #tpu.memory_space<vmem>>
        %dma_start3A_238 = arith.constant 0 : i32
        %dma_start3A_239 = tpu.memref_slice %arg2[%squeeze3A_226, %dma_start3A_238] : memref<100001x64xf32, #tpu.memory_space<hbm>> -> memref<1x64xf32, #tpu.memory_space<hbm>>
        %dma_start3A_240 = tpu.memref_squeeze %dma_start3A_239 : memref<1x64xf32, #tpu.memory_space<hbm>> -> memref<64xf32, #tpu.memory_space<hbm>>
        tpu.enqueue_dma source(%dma_start3A_240 : memref<64xf32, #tpu.memory_space<hbm>>) target(%dma_start3A_237 : memref<64xf32, #tpu.memory_space<vmem>>) target_semaphore(%arg12 : memref<!tpu.dma_semaphore, #tpu.memory_space<semaphore_mem>>)
        %slice3A_241 = vector.extract_strided_slice %get3A_35 {offsets = [6], sizes = [1], strides = [1]} : vector<16xi32> to vector<1xi32>
        %squeeze3A_242 = vector.extract %slice3A_241[0] : i32 from vector<1xi32>
        %add3A_243 = arith.constant 6 : i32
        %add3A_244 = arith.addi %add3A_28, %add3A_243 : i32
        %dma_start3A_245 = arith.constant 0 : i32
        %dma_start3A_246 = tpu.memref_slice %arg11[%add3A_244, %dma_start3A_245] : memref<256x64xf32, #tpu.memory_space<vmem>> -> memref<1x64xf32, #tpu.memory_space<vmem>>
        %dma_start3A_247 = tpu.memref_squeeze %dma_start3A_246 : memref<1x64xf32, #tpu.memory_space<vmem>> -> memref<64xf32, #tpu.memory_space<vmem>>
        %dma_start3A_248 = arith.constant 0 : i32
        %dma_start3A_249 = tpu.memref_slice %arg3[%squeeze3A_242, %dma_start3A_248] : memref<1000001x64xf32, #tpu.memory_space<hbm>> -> memref<1x64xf32, #tpu.memory_space<hbm>>
        %dma_start3A_250 = tpu.memref_squeeze %dma_start3A_249 : memref<1x64xf32, #tpu.memory_space<hbm>> -> memref<64xf32, #tpu.memory_space<hbm>>
        %dma_start3A_251 = arith.constant 0 : i32
        %dma_start3A_252 = tpu.memref_slice %arg11[%add3A_244, %dma_start3A_251] : memref<256x64xf32, #tpu.memory_space<vmem>> -> memref<1x64xf32, #tpu.memory_space<vmem>>
        %dma_start3A_253 = tpu.memref_squeeze %dma_start3A_252 : memref<1x64xf32, #tpu.memory_space<vmem>> -> memref<64xf32, #tpu.memory_space<vmem>>
        %dma_start3A_254 = arith.constant 0 : i32
        %dma_start3A_255 = tpu.memref_slice %arg3[%squeeze3A_242, %dma_start3A_254] : memref<1000001x64xf32, #tpu.memory_space<hbm>> -> memref<1x64xf32, #tpu.memory_space<hbm>>
        %dma_start3A_256 = tpu.memref_squeeze %dma_start3A_255 : memref<1x64xf32, #tpu.memory_space<hbm>> -> memref<64xf32, #tpu.memory_space<hbm>>
        tpu.enqueue_dma source(%dma_start3A_256 : memref<64xf32, #tpu.memory_space<hbm>>) target(%dma_start3A_253 : memref<64xf32, #tpu.memory_space<vmem>>) target_semaphore(%arg13 : memref<!tpu.dma_semaphore, #tpu.memory_space<semaphore_mem>>)
        %slice3A_257 = vector.extract_strided_slice %get3A_31 {offsets = [7], sizes = [1], strides = [1]} : vector<16xi32> to vector<1xi32>
        %squeeze3A_258 = vector.extract %slice3A_257[0] : i32 from vector<1xi32>
        %add3A_259 = arith.constant 7 : i32
        %add3A_260 = arith.addi %add3A_28, %add3A_259 : i32
        %dma_start3A_261 = arith.constant 0 : i32
        %dma_start3A_262 = tpu.memref_slice %arg10[%add3A_260, %dma_start3A_261] : memref<256x64xf32, #tpu.memory_space<vmem>> -> memref<1x64xf32, #tpu.memory_space<vmem>>
        %dma_start3A_263 = tpu.memref_squeeze %dma_start3A_262 : memref<1x64xf32, #tpu.memory_space<vmem>> -> memref<64xf32, #tpu.memory_space<vmem>>
        %dma_start3A_264 = arith.constant 0 : i32
        %dma_start3A_265 = tpu.memref_slice %arg2[%squeeze3A_258, %dma_start3A_264] : memref<100001x64xf32, #tpu.memory_space<hbm>> -> memref<1x64xf32, #tpu.memory_space<hbm>>
        %dma_start3A_266 = tpu.memref_squeeze %dma_start3A_265 : memref<1x64xf32, #tpu.memory_space<hbm>> -> memref<64xf32, #tpu.memory_space<hbm>>
        %dma_start3A_267 = arith.constant 0 : i32
        %dma_start3A_268 = tpu.memref_slice %arg10[%add3A_260, %dma_start3A_267] : memref<256x64xf32, #tpu.memory_space<vmem>> -> memref<1x64xf32, #tpu.memory_space<vmem>>
        %dma_start3A_269 = tpu.memref_squeeze %dma_start3A_268 : memref<1x64xf32, #tpu.memory_space<vmem>> -> memref<64xf32, #tpu.memory_space<vmem>>
        %dma_start3A_270 = arith.constant 0 : i32
        %dma_start3A_271 = tpu.memref_slice %arg2[%squeeze3A_258, %dma_start3A_270] : memref<100001x64xf32, #tpu.memory_space<hbm>> -> memref<1x64xf32, #tpu.memory_space<hbm>>
        %dma_start3A_272 = tpu.memref_squeeze %dma_start3A_271 : memref<1x64xf32, #tpu.memory_space<hbm>> -> memref<64xf32, #tpu.memory_space<hbm>>
        tpu.enqueue_dma source(%dma_start3A_272 : memref<64xf32, #tpu.memory_space<hbm>>) target(%dma_start3A_269 : memref<64xf32, #tpu.memory_space<vmem>>) target_semaphore(%arg12 : memref<!tpu.dma_semaphore, #tpu.memory_space<semaphore_mem>>)
        %slice3A_273 = vector.extract_strided_slice %get3A_35 {offsets = [7], sizes = [1], strides = [1]} : vector<16xi32> to vector<1xi32>
        %squeeze3A_274 = vector.extract %slice3A_273[0] : i32 from vector<1xi32>
        %add3A_275 = arith.constant 7 : i32
        %add3A_276 = arith.addi %add3A_28, %add3A_275 : i32
        %dma_start3A_277 = arith.constant 0 : i32
        %dma_start3A_278 = tpu.memref_slice %arg11[%add3A_276, %dma_start3A_277] : memref<256x64xf32, #tpu.memory_space<vmem>> -> memref<1x64xf32, #tpu.memory_space<vmem>>
        %dma_start3A_279 = tpu.memref_squeeze %dma_start3A_278 : memref<1x64xf32, #tpu.memory_space<vmem>> -> memref<64xf32, #tpu.memory_space<vmem>>
        %dma_start3A_280 = arith.constant 0 : i32
        %dma_start3A_281 = tpu.memref_slice %arg3[%squeeze3A_274, %dma_start3A_280] : memref<1000001x64xf32, #tpu.memory_space<hbm>> -> memref<1x64xf32, #tpu.memory_space<hbm>>
        %dma_start3A_282 = tpu.memref_squeeze %dma_start3A_281 : memref<1x64xf32, #tpu.memory_space<hbm>> -> memref<64xf32, #tpu.memory_space<hbm>>
        %dma_start3A_283 = arith.constant 0 : i32
        %dma_start3A_284 = tpu.memref_slice %arg11[%add3A_276, %dma_start3A_283] : memref<256x64xf32, #tpu.memory_space<vmem>> -> memref<1x64xf32, #tpu.memory_space<vmem>>
        %dma_start3A_285 = tpu.memref_squeeze %dma_start3A_284 : memref<1x64xf32, #tpu.memory_space<vmem>> -> memref<64xf32, #tpu.memory_space<vmem>>
        %dma_start3A_286 = arith.constant 0 : i32
        %dma_start3A_287 = tpu.memref_slice %arg3[%squeeze3A_274, %dma_start3A_286] : memref<1000001x64xf32, #tpu.memory_space<hbm>> -> memref<1x64xf32, #tpu.memory_space<hbm>>
        %dma_start3A_288 = tpu.memref_squeeze %dma_start3A_287 : memref<1x64xf32, #tpu.memory_space<hbm>> -> memref<64xf32, #tpu.memory_space<hbm>>
        tpu.enqueue_dma source(%dma_start3A_288 : memref<64xf32, #tpu.memory_space<hbm>>) target(%dma_start3A_285 : memref<64xf32, #tpu.memory_space<vmem>>) target_semaphore(%arg13 : memref<!tpu.dma_semaphore, #tpu.memory_space<semaphore_mem>>)
        %slice3A_289 = vector.extract_strided_slice %get3A_31 {offsets = [8], sizes = [1], strides = [1]} : vector<16xi32> to vector<1xi32>
        %squeeze3A_290 = vector.extract %slice3A_289[0] : i32 from vector<1xi32>
        %add3A_291 = arith.constant 8 : i32
        %add3A_292 = arith.addi %add3A_28, %add3A_291 : i32
        %dma_start3A_293 = arith.constant 0 : i32
        %dma_start3A_294 = tpu.memref_slice %arg10[%add3A_292, %dma_start3A_293] : memref<256x64xf32, #tpu.memory_space<vmem>> -> memref<1x64xf32, #tpu.memory_space<vmem>>
        %dma_start3A_295 = tpu.memref_squeeze %dma_start3A_294 : memref<1x64xf32, #tpu.memory_space<vmem>> -> memref<64xf32, #tpu.memory_space<vmem>>
        %dma_start3A_296 = arith.constant 0 : i32
        %dma_start3A_297 = tpu.memref_slice %arg2[%squeeze3A_290, %dma_start3A_296] : memref<100001x64xf32, #tpu.memory_space<hbm>> -> memref<1x64xf32, #tpu.memory_space<hbm>>
        %dma_start3A_298 = tpu.memref_squeeze %dma_start3A_297 : memref<1x64xf32, #tpu.memory_space<hbm>> -> memref<64xf32, #tpu.memory_space<hbm>>
        %dma_start3A_299 = arith.constant 0 : i32
        %dma_start3A_300 = tpu.memref_slice %arg10[%add3A_292, %dma_start3A_299] : memref<256x64xf32, #tpu.memory_space<vmem>> -> memref<1x64xf32, #tpu.memory_space<vmem>>
        %dma_start3A_301 = tpu.memref_squeeze %dma_start3A_300 : memref<1x64xf32, #tpu.memory_space<vmem>> -> memref<64xf32, #tpu.memory_space<vmem>>
        %dma_start3A_302 = arith.constant 0 : i32
        %dma_start3A_303 = tpu.memref_slice %arg2[%squeeze3A_290, %dma_start3A_302] : memref<100001x64xf32, #tpu.memory_space<hbm>> -> memref<1x64xf32, #tpu.memory_space<hbm>>
        %dma_start3A_304 = tpu.memref_squeeze %dma_start3A_303 : memref<1x64xf32, #tpu.memory_space<hbm>> -> memref<64xf32, #tpu.memory_space<hbm>>
        tpu.enqueue_dma source(%dma_start3A_304 : memref<64xf32, #tpu.memory_space<hbm>>) target(%dma_start3A_301 : memref<64xf32, #tpu.memory_space<vmem>>) target_semaphore(%arg12 : memref<!tpu.dma_semaphore, #tpu.memory_space<semaphore_mem>>)
        %slice3A_305 = vector.extract_strided_slice %get3A_35 {offsets = [8], sizes = [1], strides = [1]} : vector<16xi32> to vector<1xi32>
        %squeeze3A_306 = vector.extract %slice3A_305[0] : i32 from vector<1xi32>
        %add3A_307 = arith.constant 8 : i32
        %add3A_308 = arith.addi %add3A_28, %add3A_307 : i32
        %dma_start3A_309 = arith.constant 0 : i32
        %dma_start3A_310 = tpu.memref_slice %arg11[%add3A_308, %dma_start3A_309] : memref<256x64xf32, #tpu.memory_space<vmem>> -> memref<1x64xf32, #tpu.memory_space<vmem>>
        %dma_start3A_311 = tpu.memref_squeeze %dma_start3A_310 : memref<1x64xf32, #tpu.memory_space<vmem>> -> memref<64xf32, #tpu.memory_space<vmem>>
        %dma_start3A_312 = arith.constant 0 : i32
        %dma_start3A_313 = tpu.memref_slice %arg3[%squeeze3A_306, %dma_start3A_312] : memref<1000001x64xf32, #tpu.memory_space<hbm>> -> memref<1x64xf32, #tpu.memory_space<hbm>>
        %dma_start3A_314 = tpu.memref_squeeze %dma_start3A_313 : memref<1x64xf32, #tpu.memory_space<hbm>> -> memref<64xf32, #tpu.memory_space<hbm>>
        %dma_start3A_315 = arith.constant 0 : i32
        %dma_start3A_316 = tpu.memref_slice %arg11[%add3A_308, %dma_start3A_315] : memref<256x64xf32, #tpu.memory_space<vmem>> -> memref<1x64xf32, #tpu.memory_space<vmem>>
        %dma_start3A_317 = tpu.memref_squeeze %dma_start3A_316 : memref<1x64xf32, #tpu.memory_space<vmem>> -> memref<64xf32, #tpu.memory_space<vmem>>
        %dma_start3A_318 = arith.constant 0 : i32
        %dma_start3A_319 = tpu.memref_slice %arg3[%squeeze3A_306, %dma_start3A_318] : memref<1000001x64xf32, #tpu.memory_space<hbm>> -> memref<1x64xf32, #tpu.memory_space<hbm>>
        %dma_start3A_320 = tpu.memref_squeeze %dma_start3A_319 : memref<1x64xf32, #tpu.memory_space<hbm>> -> memref<64xf32, #tpu.memory_space<hbm>>
        tpu.enqueue_dma source(%dma_start3A_320 : memref<64xf32, #tpu.memory_space<hbm>>) target(%dma_start3A_317 : memref<64xf32, #tpu.memory_space<vmem>>) target_semaphore(%arg13 : memref<!tpu.dma_semaphore, #tpu.memory_space<semaphore_mem>>)
        %slice3A_321 = vector.extract_strided_slice %get3A_31 {offsets = [9], sizes = [1], strides = [1]} : vector<16xi32> to vector<1xi32>
        %squeeze3A_322 = vector.extract %slice3A_321[0] : i32 from vector<1xi32>
        %add3A_323 = arith.constant 9 : i32
        %add3A_324 = arith.addi %add3A_28, %add3A_323 : i32
        %dma_start3A_325 = arith.constant 0 : i32
        %dma_start3A_326 = tpu.memref_slice %arg10[%add3A_324, %dma_start3A_325] : memref<256x64xf32, #tpu.memory_space<vmem>> -> memref<1x64xf32, #tpu.memory_space<vmem>>
        %dma_start3A_327 = tpu.memref_squeeze %dma_start3A_326 : memref<1x64xf32, #tpu.memory_space<vmem>> -> memref<64xf32, #tpu.memory_space<vmem>>
        %dma_start3A_328 = arith.constant 0 : i32
        %dma_start3A_329 = tpu.memref_slice %arg2[%squeeze3A_322, %dma_start3A_328] : memref<100001x64xf32, #tpu.memory_space<hbm>> -> memref<1x64xf32, #tpu.memory_space<hbm>>
        %dma_start3A_330 = tpu.memref_squeeze %dma_start3A_329 : memref<1x64xf32, #tpu.memory_space<hbm>> -> memref<64xf32, #tpu.memory_space<hbm>>
        %dma_start3A_331 = arith.constant 0 : i32
        %dma_start3A_332 = tpu.memref_slice %arg10[%add3A_324, %dma_start3A_331] : memref<256x64xf32, #tpu.memory_space<vmem>> -> memref<1x64xf32, #tpu.memory_space<vmem>>
        %dma_start3A_333 = tpu.memref_squeeze %dma_start3A_332 : memref<1x64xf32, #tpu.memory_space<vmem>> -> memref<64xf32, #tpu.memory_space<vmem>>
        %dma_start3A_334 = arith.constant 0 : i32
        %dma_start3A_335 = tpu.memref_slice %arg2[%squeeze3A_322, %dma_start3A_334] : memref<100001x64xf32, #tpu.memory_space<hbm>> -> memref<1x64xf32, #tpu.memory_space<hbm>>
        %dma_start3A_336 = tpu.memref_squeeze %dma_start3A_335 : memref<1x64xf32, #tpu.memory_space<hbm>> -> memref<64xf32, #tpu.memory_space<hbm>>
        tpu.enqueue_dma source(%dma_start3A_336 : memref<64xf32, #tpu.memory_space<hbm>>) target(%dma_start3A_333 : memref<64xf32, #tpu.memory_space<vmem>>) target_semaphore(%arg12 : memref<!tpu.dma_semaphore, #tpu.memory_space<semaphore_mem>>)
        %slice3A_337 = vector.extract_strided_slice %get3A_35 {offsets = [9], sizes = [1], strides = [1]} : vector<16xi32> to vector<1xi32>
        %squeeze3A_338 = vector.extract %slice3A_337[0] : i32 from vector<1xi32>
        %add3A_339 = arith.constant 9 : i32
        %add3A_340 = arith.addi %add3A_28, %add3A_339 : i32
        %dma_start3A_341 = arith.constant 0 : i32
        %dma_start3A_342 = tpu.memref_slice %arg11[%add3A_340, %dma_start3A_341] : memref<256x64xf32, #tpu.memory_space<vmem>> -> memref<1x64xf32, #tpu.memory_space<vmem>>
        %dma_start3A_343 = tpu.memref_squeeze %dma_start3A_342 : memref<1x64xf32, #tpu.memory_space<vmem>> -> memref<64xf32, #tpu.memory_space<vmem>>
        %dma_start3A_344 = arith.constant 0 : i32
        %dma_start3A_345 = tpu.memref_slice %arg3[%squeeze3A_338, %dma_start3A_344] : memref<1000001x64xf32, #tpu.memory_space<hbm>> -> memref<1x64xf32, #tpu.memory_space<hbm>>
        %dma_start3A_346 = tpu.memref_squeeze %dma_start3A_345 : memref<1x64xf32, #tpu.memory_space<hbm>> -> memref<64xf32, #tpu.memory_space<hbm>>
        %dma_start3A_347 = arith.constant 0 : i32
        %dma_start3A_348 = tpu.memref_slice %arg11[%add3A_340, %dma_start3A_347] : memref<256x64xf32, #tpu.memory_space<vmem>> -> memref<1x64xf32, #tpu.memory_space<vmem>>
        %dma_start3A_349 = tpu.memref_squeeze %dma_start3A_348 : memref<1x64xf32, #tpu.memory_space<vmem>> -> memref<64xf32, #tpu.memory_space<vmem>>
        %dma_start3A_350 = arith.constant 0 : i32
        %dma_start3A_351 = tpu.memref_slice %arg3[%squeeze3A_338, %dma_start3A_350] : memref<1000001x64xf32, #tpu.memory_space<hbm>> -> memref<1x64xf32, #tpu.memory_space<hbm>>
        %dma_start3A_352 = tpu.memref_squeeze %dma_start3A_351 : memref<1x64xf32, #tpu.memory_space<hbm>> -> memref<64xf32, #tpu.memory_space<hbm>>
        tpu.enqueue_dma source(%dma_start3A_352 : memref<64xf32, #tpu.memory_space<hbm>>) target(%dma_start3A_349 : memref<64xf32, #tpu.memory_space<vmem>>) target_semaphore(%arg13 : memref<!tpu.dma_semaphore, #tpu.memory_space<semaphore_mem>>)
        %slice3A_353 = vector.extract_strided_slice %get3A_31 {offsets = [10], sizes = [1], strides = [1]} : vector<16xi32> to vector<1xi32>
        %squeeze3A_354 = vector.extract %slice3A_353[0] : i32 from vector<1xi32>
        %add3A_355 = arith.constant 10 : i32
        %add3A_356 = arith.addi %add3A_28, %add3A_355 : i32
        %dma_start3A_357 = arith.constant 0 : i32
        %dma_start3A_358 = tpu.memref_slice %arg10[%add3A_356, %dma_start3A_357] : memref<256x64xf32, #tpu.memory_space<vmem>> -> memref<1x64xf32, #tpu.memory_space<vmem>>
        %dma_start3A_359 = tpu.memref_squeeze %dma_start3A_358 : memref<1x64xf32, #tpu.memory_space<vmem>> -> memref<64xf32, #tpu.memory_space<vmem>>
        %dma_start3A_360 = arith.constant 0 : i32
        %dma_start3A_361 = tpu.memref_slice %arg2[%squeeze3A_354, %dma_start3A_360] : memref<100001x64xf32, #tpu.memory_space<hbm>> -> memref<1x64xf32, #tpu.memory_space<hbm>>
        %dma_start3A_362 = tpu.memref_squeeze %dma_start3A_361 : memref<1x64xf32, #tpu.memory_space<hbm>> -> memref<64xf32, #tpu.memory_space<hbm>>
        %dma_start3A_363 = arith.constant 0 : i32
        %dma_start3A_364 = tpu.memref_slice %arg10[%add3A_356, %dma_start3A_363] : memref<256x64xf32, #tpu.memory_space<vmem>> -> memref<1x64xf32, #tpu.memory_space<vmem>>
        %dma_start3A_365 = tpu.memref_squeeze %dma_start3A_364 : memref<1x64xf32, #tpu.memory_space<vmem>> -> memref<64xf32, #tpu.memory_space<vmem>>
        %dma_start3A_366 = arith.constant 0 : i32
        %dma_start3A_367 = tpu.memref_slice %arg2[%squeeze3A_354, %dma_start3A_366] : memref<100001x64xf32, #tpu.memory_space<hbm>> -> memref<1x64xf32, #tpu.memory_space<hbm>>
        %dma_start3A_368 = tpu.memref_squeeze %dma_start3A_367 : memref<1x64xf32, #tpu.memory_space<hbm>> -> memref<64xf32, #tpu.memory_space<hbm>>
        tpu.enqueue_dma source(%dma_start3A_368 : memref<64xf32, #tpu.memory_space<hbm>>) target(%dma_start3A_365 : memref<64xf32, #tpu.memory_space<vmem>>) target_semaphore(%arg12 : memref<!tpu.dma_semaphore, #tpu.memory_space<semaphore_mem>>)
        %slice3A_369 = vector.extract_strided_slice %get3A_35 {offsets = [10], sizes = [1], strides = [1]} : vector<16xi32> to vector<1xi32>
        %squeeze3A_370 = vector.extract %slice3A_369[0] : i32 from vector<1xi32>
        %add3A_371 = arith.constant 10 : i32
        %add3A_372 = arith.addi %add3A_28, %add3A_371 : i32
        %dma_start3A_373 = arith.constant 0 : i32
        %dma_start3A_374 = tpu.memref_slice %arg11[%add3A_372, %dma_start3A_373] : memref<256x64xf32, #tpu.memory_space<vmem>> -> memref<1x64xf32, #tpu.memory_space<vmem>>
        %dma_start3A_375 = tpu.memref_squeeze %dma_start3A_374 : memref<1x64xf32, #tpu.memory_space<vmem>> -> memref<64xf32, #tpu.memory_space<vmem>>
        %dma_start3A_376 = arith.constant 0 : i32
        %dma_start3A_377 = tpu.memref_slice %arg3[%squeeze3A_370, %dma_start3A_376] : memref<1000001x64xf32, #tpu.memory_space<hbm>> -> memref<1x64xf32, #tpu.memory_space<hbm>>
        %dma_start3A_378 = tpu.memref_squeeze %dma_start3A_377 : memref<1x64xf32, #tpu.memory_space<hbm>> -> memref<64xf32, #tpu.memory_space<hbm>>
        %dma_start3A_379 = arith.constant 0 : i32
        %dma_start3A_380 = tpu.memref_slice %arg11[%add3A_372, %dma_start3A_379] : memref<256x64xf32, #tpu.memory_space<vmem>> -> memref<1x64xf32, #tpu.memory_space<vmem>>
        %dma_start3A_381 = tpu.memref_squeeze %dma_start3A_380 : memref<1x64xf32, #tpu.memory_space<vmem>> -> memref<64xf32, #tpu.memory_space<vmem>>
        %dma_start3A_382 = arith.constant 0 : i32
        %dma_start3A_383 = tpu.memref_slice %arg3[%squeeze3A_370, %dma_start3A_382] : memref<1000001x64xf32, #tpu.memory_space<hbm>> -> memref<1x64xf32, #tpu.memory_space<hbm>>
        %dma_start3A_384 = tpu.memref_squeeze %dma_start3A_383 : memref<1x64xf32, #tpu.memory_space<hbm>> -> memref<64xf32, #tpu.memory_space<hbm>>
        tpu.enqueue_dma source(%dma_start3A_384 : memref<64xf32, #tpu.memory_space<hbm>>) target(%dma_start3A_381 : memref<64xf32, #tpu.memory_space<vmem>>) target_semaphore(%arg13 : memref<!tpu.dma_semaphore, #tpu.memory_space<semaphore_mem>>)
        %slice3A_385 = vector.extract_strided_slice %get3A_31 {offsets = [11], sizes = [1], strides = [1]} : vector<16xi32> to vector<1xi32>
        %squeeze3A_386 = vector.extract %slice3A_385[0] : i32 from vector<1xi32>
        %add3A_387 = arith.constant 11 : i32
        %add3A_388 = arith.addi %add3A_28, %add3A_387 : i32
        %dma_start3A_389 = arith.constant 0 : i32
        %dma_start3A_390 = tpu.memref_slice %arg10[%add3A_388, %dma_start3A_389] : memref<256x64xf32, #tpu.memory_space<vmem>> -> memref<1x64xf32, #tpu.memory_space<vmem>>
        %dma_start3A_391 = tpu.memref_squeeze %dma_start3A_390 : memref<1x64xf32, #tpu.memory_space<vmem>> -> memref<64xf32, #tpu.memory_space<vmem>>
        %dma_start3A_392 = arith.constant 0 : i32
        %dma_start3A_393 = tpu.memref_slice %arg2[%squeeze3A_386, %dma_start3A_392] : memref<100001x64xf32, #tpu.memory_space<hbm>> -> memref<1x64xf32, #tpu.memory_space<hbm>>
        %dma_start3A_394 = tpu.memref_squeeze %dma_start3A_393 : memref<1x64xf32, #tpu.memory_space<hbm>> -> memref<64xf32, #tpu.memory_space<hbm>>
        %dma_start3A_395 = arith.constant 0 : i32
        %dma_start3A_396 = tpu.memref_slice %arg10[%add3A_388, %dma_start3A_395] : memref<256x64xf32, #tpu.memory_space<vmem>> -> memref<1x64xf32, #tpu.memory_space<vmem>>
        %dma_start3A_397 = tpu.memref_squeeze %dma_start3A_396 : memref<1x64xf32, #tpu.memory_space<vmem>> -> memref<64xf32, #tpu.memory_space<vmem>>
        %dma_start3A_398 = arith.constant 0 : i32
        %dma_start3A_399 = tpu.memref_slice %arg2[%squeeze3A_386, %dma_start3A_398] : memref<100001x64xf32, #tpu.memory_space<hbm>> -> memref<1x64xf32, #tpu.memory_space<hbm>>
        %dma_start3A_400 = tpu.memref_squeeze %dma_start3A_399 : memref<1x64xf32, #tpu.memory_space<hbm>> -> memref<64xf32, #tpu.memory_space<hbm>>
        tpu.enqueue_dma source(%dma_start3A_400 : memref<64xf32, #tpu.memory_space<hbm>>) target(%dma_start3A_397 : memref<64xf32, #tpu.memory_space<vmem>>) target_semaphore(%arg12 : memref<!tpu.dma_semaphore, #tpu.memory_space<semaphore_mem>>)
        %slice3A_401 = vector.extract_strided_slice %get3A_35 {offsets = [11], sizes = [1], strides = [1]} : vector<16xi32> to vector<1xi32>
        %squeeze3A_402 = vector.extract %slice3A_401[0] : i32 from vector<1xi32>
        %add3A_403 = arith.constant 11 : i32
        %add3A_404 = arith.addi %add3A_28, %add3A_403 : i32
        %dma_start3A_405 = arith.constant 0 : i32
        %dma_start3A_406 = tpu.memref_slice %arg11[%add3A_404, %dma_start3A_405] : memref<256x64xf32, #tpu.memory_space<vmem>> -> memref<1x64xf32, #tpu.memory_space<vmem>>
        %dma_start3A_407 = tpu.memref_squeeze %dma_start3A_406 : memref<1x64xf32, #tpu.memory_space<vmem>> -> memref<64xf32, #tpu.memory_space<vmem>>
        %dma_start3A_408 = arith.constant 0 : i32
        %dma_start3A_409 = tpu.memref_slice %arg3[%squeeze3A_402, %dma_start3A_408] : memref<1000001x64xf32, #tpu.memory_space<hbm>> -> memref<1x64xf32, #tpu.memory_space<hbm>>
        %dma_start3A_410 = tpu.memref_squeeze %dma_start3A_409 : memref<1x64xf32, #tpu.memory_space<hbm>> -> memref<64xf32, #tpu.memory_space<hbm>>
        %dma_start3A_411 = arith.constant 0 : i32
        %dma_start3A_412 = tpu.memref_slice %arg11[%add3A_404, %dma_start3A_411] : memref<256x64xf32, #tpu.memory_space<vmem>> -> memref<1x64xf32, #tpu.memory_space<vmem>>
        %dma_start3A_413 = tpu.memref_squeeze %dma_start3A_412 : memref<1x64xf32, #tpu.memory_space<vmem>> -> memref<64xf32, #tpu.memory_space<vmem>>
        %dma_start3A_414 = arith.constant 0 : i32
        %dma_start3A_415 = tpu.memref_slice %arg3[%squeeze3A_402, %dma_start3A_414] : memref<1000001x64xf32, #tpu.memory_space<hbm>> -> memref<1x64xf32, #tpu.memory_space<hbm>>
        %dma_start3A_416 = tpu.memref_squeeze %dma_start3A_415 : memref<1x64xf32, #tpu.memory_space<hbm>> -> memref<64xf32, #tpu.memory_space<hbm>>
        tpu.enqueue_dma source(%dma_start3A_416 : memref<64xf32, #tpu.memory_space<hbm>>) target(%dma_start3A_413 : memref<64xf32, #tpu.memory_space<vmem>>) target_semaphore(%arg13 : memref<!tpu.dma_semaphore, #tpu.memory_space<semaphore_mem>>)
        %slice3A_417 = vector.extract_strided_slice %get3A_31 {offsets = [12], sizes = [1], strides = [1]} : vector<16xi32> to vector<1xi32>
        %squeeze3A_418 = vector.extract %slice3A_417[0] : i32 from vector<1xi32>
        %add3A_419 = arith.constant 12 : i32
        %add3A_420 = arith.addi %add3A_28, %add3A_419 : i32
        %dma_start3A_421 = arith.constant 0 : i32
        %dma_start3A_422 = tpu.memref_slice %arg10[%add3A_420, %dma_start3A_421] : memref<256x64xf32, #tpu.memory_space<vmem>> -> memref<1x64xf32, #tpu.memory_space<vmem>>
        %dma_start3A_423 = tpu.memref_squeeze %dma_start3A_422 : memref<1x64xf32, #tpu.memory_space<vmem>> -> memref<64xf32, #tpu.memory_space<vmem>>
        %dma_start3A_424 = arith.constant 0 : i32
        %dma_start3A_425 = tpu.memref_slice %arg2[%squeeze3A_418, %dma_start3A_424] : memref<100001x64xf32, #tpu.memory_space<hbm>> -> memref<1x64xf32, #tpu.memory_space<hbm>>
        %dma_start3A_426 = tpu.memref_squeeze %dma_start3A_425 : memref<1x64xf32, #tpu.memory_space<hbm>> -> memref<64xf32, #tpu.memory_space<hbm>>
        %dma_start3A_427 = arith.constant 0 : i32
        %dma_start3A_428 = tpu.memref_slice %arg10[%add3A_420, %dma_start3A_427] : memref<256x64xf32, #tpu.memory_space<vmem>> -> memref<1x64xf32, #tpu.memory_space<vmem>>
        %dma_start3A_429 = tpu.memref_squeeze %dma_start3A_428 : memref<1x64xf32, #tpu.memory_space<vmem>> -> memref<64xf32, #tpu.memory_space<vmem>>
        %dma_start3A_430 = arith.constant 0 : i32
        %dma_start3A_431 = tpu.memref_slice %arg2[%squeeze3A_418, %dma_start3A_430] : memref<100001x64xf32, #tpu.memory_space<hbm>> -> memref<1x64xf32, #tpu.memory_space<hbm>>
        %dma_start3A_432 = tpu.memref_squeeze %dma_start3A_431 : memref<1x64xf32, #tpu.memory_space<hbm>> -> memref<64xf32, #tpu.memory_space<hbm>>
        tpu.enqueue_dma source(%dma_start3A_432 : memref<64xf32, #tpu.memory_space<hbm>>) target(%dma_start3A_429 : memref<64xf32, #tpu.memory_space<vmem>>) target_semaphore(%arg12 : memref<!tpu.dma_semaphore, #tpu.memory_space<semaphore_mem>>)
        %slice3A_433 = vector.extract_strided_slice %get3A_35 {offsets = [12], sizes = [1], strides = [1]} : vector<16xi32> to vector<1xi32>
        %squeeze3A_434 = vector.extract %slice3A_433[0] : i32 from vector<1xi32>
        %add3A_435 = arith.constant 12 : i32
        %add3A_436 = arith.addi %add3A_28, %add3A_435 : i32
        %dma_start3A_437 = arith.constant 0 : i32
        %dma_start3A_438 = tpu.memref_slice %arg11[%add3A_436, %dma_start3A_437] : memref<256x64xf32, #tpu.memory_space<vmem>> -> memref<1x64xf32, #tpu.memory_space<vmem>>
        %dma_start3A_439 = tpu.memref_squeeze %dma_start3A_438 : memref<1x64xf32, #tpu.memory_space<vmem>> -> memref<64xf32, #tpu.memory_space<vmem>>
        %dma_start3A_440 = arith.constant 0 : i32
        %dma_start3A_441 = tpu.memref_slice %arg3[%squeeze3A_434, %dma_start3A_440] : memref<1000001x64xf32, #tpu.memory_space<hbm>> -> memref<1x64xf32, #tpu.memory_space<hbm>>
        %dma_start3A_442 = tpu.memref_squeeze %dma_start3A_441 : memref<1x64xf32, #tpu.memory_space<hbm>> -> memref<64xf32, #tpu.memory_space<hbm>>
        %dma_start3A_443 = arith.constant 0 : i32
        %dma_start3A_444 = tpu.memref_slice %arg11[%add3A_436, %dma_start3A_443] : memref<256x64xf32, #tpu.memory_space<vmem>> -> memref<1x64xf32, #tpu.memory_space<vmem>>
        %dma_start3A_445 = tpu.memref_squeeze %dma_start3A_444 : memref<1x64xf32, #tpu.memory_space<vmem>> -> memref<64xf32, #tpu.memory_space<vmem>>
        %dma_start3A_446 = arith.constant 0 : i32
        %dma_start3A_447 = tpu.memref_slice %arg3[%squeeze3A_434, %dma_start3A_446] : memref<1000001x64xf32, #tpu.memory_space<hbm>> -> memref<1x64xf32, #tpu.memory_space<hbm>>
        %dma_start3A_448 = tpu.memref_squeeze %dma_start3A_447 : memref<1x64xf32, #tpu.memory_space<hbm>> -> memref<64xf32, #tpu.memory_space<hbm>>
        tpu.enqueue_dma source(%dma_start3A_448 : memref<64xf32, #tpu.memory_space<hbm>>) target(%dma_start3A_445 : memref<64xf32, #tpu.memory_space<vmem>>) target_semaphore(%arg13 : memref<!tpu.dma_semaphore, #tpu.memory_space<semaphore_mem>>)
        %slice3A_449 = vector.extract_strided_slice %get3A_31 {offsets = [13], sizes = [1], strides = [1]} : vector<16xi32> to vector<1xi32>
        %squeeze3A_450 = vector.extract %slice3A_449[0] : i32 from vector<1xi32>
        %add3A_451 = arith.constant 13 : i32
        %add3A_452 = arith.addi %add3A_28, %add3A_451 : i32
        %dma_start3A_453 = arith.constant 0 : i32
        %dma_start3A_454 = tpu.memref_slice %arg10[%add3A_452, %dma_start3A_453] : memref<256x64xf32, #tpu.memory_space<vmem>> -> memref<1x64xf32, #tpu.memory_space<vmem>>
        %dma_start3A_455 = tpu.memref_squeeze %dma_start3A_454 : memref<1x64xf32, #tpu.memory_space<vmem>> -> memref<64xf32, #tpu.memory_space<vmem>>
        %dma_start3A_456 = arith.constant 0 : i32
        %dma_start3A_457 = tpu.memref_slice %arg2[%squeeze3A_450, %dma_start3A_456] : memref<100001x64xf32, #tpu.memory_space<hbm>> -> memref<1x64xf32, #tpu.memory_space<hbm>>
        %dma_start3A_458 = tpu.memref_squeeze %dma_start3A_457 : memref<1x64xf32, #tpu.memory_space<hbm>> -> memref<64xf32, #tpu.memory_space<hbm>>
        %dma_start3A_459 = arith.constant 0 : i32
        %dma_start3A_460 = tpu.memref_slice %arg10[%add3A_452, %dma_start3A_459] : memref<256x64xf32, #tpu.memory_space<vmem>> -> memref<1x64xf32, #tpu.memory_space<vmem>>
        %dma_start3A_461 = tpu.memref_squeeze %dma_start3A_460 : memref<1x64xf32, #tpu.memory_space<vmem>> -> memref<64xf32, #tpu.memory_space<vmem>>
        %dma_start3A_462 = arith.constant 0 : i32
        %dma_start3A_463 = tpu.memref_slice %arg2[%squeeze3A_450, %dma_start3A_462] : memref<100001x64xf32, #tpu.memory_space<hbm>> -> memref<1x64xf32, #tpu.memory_space<hbm>>
        %dma_start3A_464 = tpu.memref_squeeze %dma_start3A_463 : memref<1x64xf32, #tpu.memory_space<hbm>> -> memref<64xf32, #tpu.memory_space<hbm>>
        tpu.enqueue_dma source(%dma_start3A_464 : memref<64xf32, #tpu.memory_space<hbm>>) target(%dma_start3A_461 : memref<64xf32, #tpu.memory_space<vmem>>) target_semaphore(%arg12 : memref<!tpu.dma_semaphore, #tpu.memory_space<semaphore_mem>>)
        %slice3A_465 = vector.extract_strided_slice %get3A_35 {offsets = [13], sizes = [1], strides = [1]} : vector<16xi32> to vector<1xi32>
        %squeeze3A_466 = vector.extract %slice3A_465[0] : i32 from vector<1xi32>
        %add3A_467 = arith.constant 13 : i32
        %add3A_468 = arith.addi %add3A_28, %add3A_467 : i32
        %dma_start3A_469 = arith.constant 0 : i32
        %dma_start3A_470 = tpu.memref_slice %arg11[%add3A_468, %dma_start3A_469] : memref<256x64xf32, #tpu.memory_space<vmem>> -> memref<1x64xf32, #tpu.memory_space<vmem>>
        %dma_start3A_471 = tpu.memref_squeeze %dma_start3A_470 : memref<1x64xf32, #tpu.memory_space<vmem>> -> memref<64xf32, #tpu.memory_space<vmem>>
        %dma_start3A_472 = arith.constant 0 : i32
        %dma_start3A_473 = tpu.memref_slice %arg3[%squeeze3A_466, %dma_start3A_472] : memref<1000001x64xf32, #tpu.memory_space<hbm>> -> memref<1x64xf32, #tpu.memory_space<hbm>>
        %dma_start3A_474 = tpu.memref_squeeze %dma_start3A_473 : memref<1x64xf32, #tpu.memory_space<hbm>> -> memref<64xf32, #tpu.memory_space<hbm>>
        %dma_start3A_475 = arith.constant 0 : i32
        %dma_start3A_476 = tpu.memref_slice %arg11[%add3A_468, %dma_start3A_475] : memref<256x64xf32, #tpu.memory_space<vmem>> -> memref<1x64xf32, #tpu.memory_space<vmem>>
        %dma_start3A_477 = tpu.memref_squeeze %dma_start3A_476 : memref<1x64xf32, #tpu.memory_space<vmem>> -> memref<64xf32, #tpu.memory_space<vmem>>
        %dma_start3A_478 = arith.constant 0 : i32
        %dma_start3A_479 = tpu.memref_slice %arg3[%squeeze3A_466, %dma_start3A_478] : memref<1000001x64xf32, #tpu.memory_space<hbm>> -> memref<1x64xf32, #tpu.memory_space<hbm>>
        %dma_start3A_480 = tpu.memref_squeeze %dma_start3A_479 : memref<1x64xf32, #tpu.memory_space<hbm>> -> memref<64xf32, #tpu.memory_space<hbm>>
        tpu.enqueue_dma source(%dma_start3A_480 : memref<64xf32, #tpu.memory_space<hbm>>) target(%dma_start3A_477 : memref<64xf32, #tpu.memory_space<vmem>>) target_semaphore(%arg13 : memref<!tpu.dma_semaphore, #tpu.memory_space<semaphore_mem>>)
        %slice3A_481 = vector.extract_strided_slice %get3A_31 {offsets = [14], sizes = [1], strides = [1]} : vector<16xi32> to vector<1xi32>
        %squeeze3A_482 = vector.extract %slice3A_481[0] : i32 from vector<1xi32>
        %add3A_483 = arith.constant 14 : i32
        %add3A_484 = arith.addi %add3A_28, %add3A_483 : i32
        %dma_start3A_485 = arith.constant 0 : i32
        %dma_start3A_486 = tpu.memref_slice %arg10[%add3A_484, %dma_start3A_485] : memref<256x64xf32, #tpu.memory_space<vmem>> -> memref<1x64xf32, #tpu.memory_space<vmem>>
        %dma_start3A_487 = tpu.memref_squeeze %dma_start3A_486 : memref<1x64xf32, #tpu.memory_space<vmem>> -> memref<64xf32, #tpu.memory_space<vmem>>
        %dma_start3A_488 = arith.constant 0 : i32
        %dma_start3A_489 = tpu.memref_slice %arg2[%squeeze3A_482, %dma_start3A_488] : memref<100001x64xf32, #tpu.memory_space<hbm>> -> memref<1x64xf32, #tpu.memory_space<hbm>>
        %dma_start3A_490 = tpu.memref_squeeze %dma_start3A_489 : memref<1x64xf32, #tpu.memory_space<hbm>> -> memref<64xf32, #tpu.memory_space<hbm>>
        %dma_start3A_491 = arith.constant 0 : i32
        %dma_start3A_492 = tpu.memref_slice %arg10[%add3A_484, %dma_start3A_491] : memref<256x64xf32, #tpu.memory_space<vmem>> -> memref<1x64xf32, #tpu.memory_space<vmem>>
        %dma_start3A_493 = tpu.memref_squeeze %dma_start3A_492 : memref<1x64xf32, #tpu.memory_space<vmem>> -> memref<64xf32, #tpu.memory_space<vmem>>
        %dma_start3A_494 = arith.constant 0 : i32
        %dma_start3A_495 = tpu.memref_slice %arg2[%squeeze3A_482, %dma_start3A_494] : memref<100001x64xf32, #tpu.memory_space<hbm>> -> memref<1x64xf32, #tpu.memory_space<hbm>>
        %dma_start3A_496 = tpu.memref_squeeze %dma_start3A_495 : memref<1x64xf32, #tpu.memory_space<hbm>> -> memref<64xf32, #tpu.memory_space<hbm>>
        tpu.enqueue_dma source(%dma_start3A_496 : memref<64xf32, #tpu.memory_space<hbm>>) target(%dma_start3A_493 : memref<64xf32, #tpu.memory_space<vmem>>) target_semaphore(%arg12 : memref<!tpu.dma_semaphore, #tpu.memory_space<semaphore_mem>>)
        %slice3A_497 = vector.extract_strided_slice %get3A_35 {offsets = [14], sizes = [1], strides = [1]} : vector<16xi32> to vector<1xi32>
        %squeeze3A_498 = vector.extract %slice3A_497[0] : i32 from vector<1xi32>
        %add3A_499 = arith.constant 14 : i32
        %add3A_500 = arith.addi %add3A_28, %add3A_499 : i32
        %dma_start3A_501 = arith.constant 0 : i32
        %dma_start3A_502 = tpu.memref_slice %arg11[%add3A_500, %dma_start3A_501] : memref<256x64xf32, #tpu.memory_space<vmem>> -> memref<1x64xf32, #tpu.memory_space<vmem>>
        %dma_start3A_503 = tpu.memref_squeeze %dma_start3A_502 : memref<1x64xf32, #tpu.memory_space<vmem>> -> memref<64xf32, #tpu.memory_space<vmem>>
        %dma_start3A_504 = arith.constant 0 : i32
        %dma_start3A_505 = tpu.memref_slice %arg3[%squeeze3A_498, %dma_start3A_504] : memref<1000001x64xf32, #tpu.memory_space<hbm>> -> memref<1x64xf32, #tpu.memory_space<hbm>>
        %dma_start3A_506 = tpu.memref_squeeze %dma_start3A_505 : memref<1x64xf32, #tpu.memory_space<hbm>> -> memref<64xf32, #tpu.memory_space<hbm>>
        %dma_start3A_507 = arith.constant 0 : i32
        %dma_start3A_508 = tpu.memref_slice %arg11[%add3A_500, %dma_start3A_507] : memref<256x64xf32, #tpu.memory_space<vmem>> -> memref<1x64xf32, #tpu.memory_space<vmem>>
        %dma_start3A_509 = tpu.memref_squeeze %dma_start3A_508 : memref<1x64xf32, #tpu.memory_space<vmem>> -> memref<64xf32, #tpu.memory_space<vmem>>
        %dma_start3A_510 = arith.constant 0 : i32
        %dma_start3A_511 = tpu.memref_slice %arg3[%squeeze3A_498, %dma_start3A_510] : memref<1000001x64xf32, #tpu.memory_space<hbm>> -> memref<1x64xf32, #tpu.memory_space<hbm>>
        %dma_start3A_512 = tpu.memref_squeeze %dma_start3A_511 : memref<1x64xf32, #tpu.memory_space<hbm>> -> memref<64xf32, #tpu.memory_space<hbm>>
        tpu.enqueue_dma source(%dma_start3A_512 : memref<64xf32, #tpu.memory_space<hbm>>) target(%dma_start3A_509 : memref<64xf32, #tpu.memory_space<vmem>>) target_semaphore(%arg13 : memref<!tpu.dma_semaphore, #tpu.memory_space<semaphore_mem>>)
        %slice3A_513 = vector.extract_strided_slice %get3A_31 {offsets = [15], sizes = [1], strides = [1]} : vector<16xi32> to vector<1xi32>
        %squeeze3A_514 = vector.extract %slice3A_513[0] : i32 from vector<1xi32>
        %add3A_515 = arith.constant 15 : i32
        %add3A_516 = arith.addi %add3A_28, %add3A_515 : i32
        %dma_start3A_517 = arith.constant 0 : i32
        %dma_start3A_518 = tpu.memref_slice %arg10[%add3A_516, %dma_start3A_517] : memref<256x64xf32, #tpu.memory_space<vmem>> -> memref<1x64xf32, #tpu.memory_space<vmem>>
        %dma_start3A_519 = tpu.memref_squeeze %dma_start3A_518 : memref<1x64xf32, #tpu.memory_space<vmem>> -> memref<64xf32, #tpu.memory_space<vmem>>
        %dma_start3A_520 = arith.constant 0 : i32
        %dma_start3A_521 = tpu.memref_slice %arg2[%squeeze3A_514, %dma_start3A_520] : memref<100001x64xf32, #tpu.memory_space<hbm>> -> memref<1x64xf32, #tpu.memory_space<hbm>>
        %dma_start3A_522 = tpu.memref_squeeze %dma_start3A_521 : memref<1x64xf32, #tpu.memory_space<hbm>> -> memref<64xf32, #tpu.memory_space<hbm>>
        %dma_start3A_523 = arith.constant 0 : i32
        %dma_start3A_524 = tpu.memref_slice %arg10[%add3A_516, %dma_start3A_523] : memref<256x64xf32, #tpu.memory_space<vmem>> -> memref<1x64xf32, #tpu.memory_space<vmem>>
        %dma_start3A_525 = tpu.memref_squeeze %dma_start3A_524 : memref<1x64xf32, #tpu.memory_space<vmem>> -> memref<64xf32, #tpu.memory_space<vmem>>
        %dma_start3A_526 = arith.constant 0 : i32
        %dma_start3A_527 = tpu.memref_slice %arg2[%squeeze3A_514, %dma_start3A_526] : memref<100001x64xf32, #tpu.memory_space<hbm>> -> memref<1x64xf32, #tpu.memory_space<hbm>>
        %dma_start3A_528 = tpu.memref_squeeze %dma_start3A_527 : memref<1x64xf32, #tpu.memory_space<hbm>> -> memref<64xf32, #tpu.memory_space<hbm>>
        tpu.enqueue_dma source(%dma_start3A_528 : memref<64xf32, #tpu.memory_space<hbm>>) target(%dma_start3A_525 : memref<64xf32, #tpu.memory_space<vmem>>) target_semaphore(%arg12 : memref<!tpu.dma_semaphore, #tpu.memory_space<semaphore_mem>>)
        %slice3A_529 = vector.extract_strided_slice %get3A_35 {offsets = [15], sizes = [1], strides = [1]} : vector<16xi32> to vector<1xi32>
        %squeeze3A_530 = vector.extract %slice3A_529[0] : i32 from vector<1xi32>
        %add3A_531 = arith.constant 15 : i32
        %add3A_532 = arith.addi %add3A_28, %add3A_531 : i32
        %dma_start3A_533 = arith.constant 0 : i32
        %dma_start3A_534 = tpu.memref_slice %arg11[%add3A_532, %dma_start3A_533] : memref<256x64xf32, #tpu.memory_space<vmem>> -> memref<1x64xf32, #tpu.memory_space<vmem>>
        %dma_start3A_535 = tpu.memref_squeeze %dma_start3A_534 : memref<1x64xf32, #tpu.memory_space<vmem>> -> memref<64xf32, #tpu.memory_space<vmem>>
        %dma_start3A_536 = arith.constant 0 : i32
        %dma_start3A_537 = tpu.memref_slice %arg3[%squeeze3A_530, %dma_start3A_536] : memref<1000001x64xf32, #tpu.memory_space<hbm>> -> memref<1x64xf32, #tpu.memory_space<hbm>>
        %dma_start3A_538 = tpu.memref_squeeze %dma_start3A_537 : memref<1x64xf32, #tpu.memory_space<hbm>> -> memref<64xf32, #tpu.memory_space<hbm>>
        %dma_start3A_539 = arith.constant 0 : i32
        %dma_start3A_540 = tpu.memref_slice %arg11[%add3A_532, %dma_start3A_539] : memref<256x64xf32, #tpu.memory_space<vmem>> -> memref<1x64xf32, #tpu.memory_space<vmem>>
        %dma_start3A_541 = tpu.memref_squeeze %dma_start3A_540 : memref<1x64xf32, #tpu.memory_space<vmem>> -> memref<64xf32, #tpu.memory_space<vmem>>
        %dma_start3A_542 = arith.constant 0 : i32
        %dma_start3A_543 = tpu.memref_slice %arg3[%squeeze3A_530, %dma_start3A_542] : memref<1000001x64xf32, #tpu.memory_space<hbm>> -> memref<1x64xf32, #tpu.memory_space<hbm>>
        %dma_start3A_544 = tpu.memref_squeeze %dma_start3A_543 : memref<1x64xf32, #tpu.memory_space<hbm>> -> memref<64xf32, #tpu.memory_space<hbm>>
        tpu.enqueue_dma source(%dma_start3A_544 : memref<64xf32, #tpu.memory_space<hbm>>) target(%dma_start3A_541 : memref<64xf32, #tpu.memory_space<vmem>>) target_semaphore(%arg13 : memref<!tpu.dma_semaphore, #tpu.memory_space<semaphore_mem>>)
      }
      %scan3A_16 = arith.constant 16 : i32
      %scan3A_17 = arith.constant 0 : i32
      %scan3A_18 = arith.constant 256 : i32
      %scan3A_19 = arith.addi %scan3A_17, %scan3A_18 : i32
      %scan3A_20 = arith.constant 1 : i32
      scf.for %scan3A_24 = %scan3A_17 to %scan3A_19 step %scan3A_20  : i32 {
        %mul3A_25 = arith.constant 1 : i32
        %mul3A_26 = arith.muli %scan3A_24, %mul3A_25 : i32
        %add3A_27 = arith.constant 0 : i32
        %add3A_28 = arith.addi %add3A_27, %mul3A_26 : i32
        %dma_wait3A = arith.constant 0 : i32
        %dma_wait3A_29 = arith.constant 0 : i32
        %dma_wait3A_30 = arith.constant 0 : i32
        %dma_wait3A_31 = tpu.memref_slice %arg10[%dma_wait3A_29, %dma_wait3A_30] : memref<256x64xf32, #tpu.memory_space<vmem>> -> memref<1x64xf32, #tpu.memory_space<vmem>>
        %dma_wait3A_32 = tpu.memref_squeeze %dma_wait3A_31 : memref<1x64xf32, #tpu.memory_space<vmem>> -> memref<64xf32, #tpu.memory_space<vmem>>
        %dma_wait3A_33 = arith.constant 0 : i32
        %dma_wait3A_34 = tpu.memref_slice %arg2[%dma_wait3A, %dma_wait3A_33] : memref<100001x64xf32, #tpu.memory_space<hbm>> -> memref<1x64xf32, #tpu.memory_space<hbm>>
        %dma_wait3A_35 = tpu.memref_squeeze %dma_wait3A_34 : memref<1x64xf32, #tpu.memory_space<hbm>> -> memref<64xf32, #tpu.memory_space<hbm>>
        %dma_wait3A_36 = arith.constant 0 : i32
        %dma_wait3A_37 = tpu.memref_slice %arg10[%dma_wait3A_29, %dma_wait3A_36] : memref<256x64xf32, #tpu.memory_space<vmem>> -> memref<1x64xf32, #tpu.memory_space<vmem>>
        %dma_wait3A_38 = tpu.memref_squeeze %dma_wait3A_37 : memref<1x64xf32, #tpu.memory_space<vmem>> -> memref<64xf32, #tpu.memory_space<vmem>>
        %dma_wait3A_39 = arith.constant 0 : i32
        %dma_wait3A_40 = tpu.memref_slice %arg2[%dma_wait3A, %dma_wait3A_39] : memref<100001x64xf32, #tpu.memory_space<hbm>> -> memref<1x64xf32, #tpu.memory_space<hbm>>
        %dma_wait3A_41 = tpu.memref_squeeze %dma_wait3A_40 : memref<1x64xf32, #tpu.memory_space<hbm>> -> memref<64xf32, #tpu.memory_space<hbm>>
        tpu.wait_dma2 semaphore(%arg12 : memref<!tpu.dma_semaphore, #tpu.memory_space<semaphore_mem>>) src(%dma_wait3A_41 : memref<64xf32, #tpu.memory_space<hbm>>) dst(%dma_wait3A_38 : memref<64xf32, #tpu.memory_space<vmem>>)
        %dma_wait3A_42 = arith.constant 0 : i32
        %dma_wait3A_43 = arith.constant 0 : i32
        %dma_wait3A_44 = arith.constant 0 : i32
        %dma_wait3A_45 = tpu.memref_slice %arg11[%dma_wait3A_43, %dma_wait3A_44] : memref<256x64xf32, #tpu.memory_space<vmem>> -> memref<1x64xf32, #tpu.memory_space<vmem>>
        %dma_wait3A_46 = tpu.memref_squeeze %dma_wait3A_45 : memref<1x64xf32, #tpu.memory_space<vmem>> -> memref<64xf32, #tpu.memory_space<vmem>>
        %dma_wait3A_47 = arith.constant 0 : i32
        %dma_wait3A_48 = tpu.memref_slice %arg3[%dma_wait3A_42, %dma_wait3A_47] : memref<1000001x64xf32, #tpu.memory_space<hbm>> -> memref<1x64xf32, #tpu.memory_space<hbm>>
        %dma_wait3A_49 = tpu.memref_squeeze %dma_wait3A_48 : memref<1x64xf32, #tpu.memory_space<hbm>> -> memref<64xf32, #tpu.memory_space<hbm>>
        %dma_wait3A_50 = arith.constant 0 : i32
        %dma_wait3A_51 = tpu.memref_slice %arg11[%dma_wait3A_43, %dma_wait3A_50] : memref<256x64xf32, #tpu.memory_space<vmem>> -> memref<1x64xf32, #tpu.memory_space<vmem>>
        %dma_wait3A_52 = tpu.memref_squeeze %dma_wait3A_51 : memref<1x64xf32, #tpu.memory_space<vmem>> -> memref<64xf32, #tpu.memory_space<vmem>>
        %dma_wait3A_53 = arith.constant 0 : i32
        %dma_wait3A_54 = tpu.memref_slice %arg3[%dma_wait3A_42, %dma_wait3A_53] : memref<1000001x64xf32, #tpu.memory_space<hbm>> -> memref<1x64xf32, #tpu.memory_space<hbm>>
        %dma_wait3A_55 = tpu.memref_squeeze %dma_wait3A_54 : memref<1x64xf32, #tpu.memory_space<hbm>> -> memref<64xf32, #tpu.memory_space<hbm>>
        tpu.wait_dma2 semaphore(%arg13 : memref<!tpu.dma_semaphore, #tpu.memory_space<semaphore_mem>>) src(%dma_wait3A_55 : memref<64xf32, #tpu.memory_space<hbm>>) dst(%dma_wait3A_52 : memref<64xf32, #tpu.memory_space<vmem>>)
      }
      %scan3A_21 = arith.constant 256 : i32
      %add3A_22 = arith.addi %mul3A_2, %add3A_11 : i32
      "tpu.region"() ({
        %run_scoped3A = tpu.sem_alloc : memref<!tpu.dma_semaphore, #tpu.memory_space<semaphore_mem>>
        %dma_start3A = arith.constant 0 : i32
        %dma_start3A_24 = tpu.memref_slice %arg6[%add3A_22, %dma_start3A] : memref<16384x64xf32, #tpu.memory_space<hbm>> -> memref<256x64xf32, #tpu.memory_space<hbm>>
        %dma_start3A_25 = arith.constant 0 : i32
        %dma_start3A_26 = tpu.memref_slice %arg6[%add3A_22, %dma_start3A_25] : memref<16384x64xf32, #tpu.memory_space<hbm>> -> memref<256x64xf32, #tpu.memory_space<hbm>>
        tpu.enqueue_dma source(%arg10 : memref<256x64xf32, #tpu.memory_space<vmem>>) target(%dma_start3A_26 : memref<256x64xf32, #tpu.memory_space<hbm>>) target_semaphore(%run_scoped3A : memref<!tpu.dma_semaphore, #tpu.memory_space<semaphore_mem>>)
        %dma_wait3A = arith.constant 0 : i32
        %dma_wait3A_27 = tpu.memref_slice %arg6[%add3A_22, %dma_wait3A] : memref<16384x64xf32, #tpu.memory_space<hbm>> -> memref<256x64xf32, #tpu.memory_space<hbm>>
        %dma_wait3A_28 = arith.constant 0 : i32
        %dma_wait3A_29 = tpu.memref_slice %arg6[%add3A_22, %dma_wait3A_28] : memref<16384x64xf32, #tpu.memory_space<hbm>> -> memref<256x64xf32, #tpu.memory_space<hbm>>
        tpu.wait_dma2 semaphore(%run_scoped3A : memref<!tpu.dma_semaphore, #tpu.memory_space<semaphore_mem>>) src(%arg10 : memref<256x64xf32, #tpu.memory_space<vmem>>) dst(%dma_wait3A_29 : memref<256x64xf32, #tpu.memory_space<hbm>>)
        tpu.yield
      }) : () -> ()
      %add3A_23 = arith.addi %mul3A_2, %add3A_11 : i32
      "tpu.region"() ({
        %run_scoped3A = tpu.sem_alloc : memref<!tpu.dma_semaphore, #tpu.memory_space<semaphore_mem>>
        %dma_start3A = arith.constant 0 : i32
        %dma_start3A_24 = tpu.memref_slice %arg7[%add3A_23, %dma_start3A] : memref<16384x64xf32, #tpu.memory_space<hbm>> -> memref<256x64xf32, #tpu.memory_space<hbm>>
        %dma_start3A_25 = arith.constant 0 : i32
        %dma_start3A_26 = tpu.memref_slice %arg7[%add3A_23, %dma_start3A_25] : memref<16384x64xf32, #tpu.memory_space<hbm>> -> memref<256x64xf32, #tpu.memory_space<hbm>>
        tpu.enqueue_dma source(%arg11 : memref<256x64xf32, #tpu.memory_space<vmem>>) target(%dma_start3A_26 : memref<256x64xf32, #tpu.memory_space<hbm>>) target_semaphore(%run_scoped3A : memref<!tpu.dma_semaphore, #tpu.memory_space<semaphore_mem>>)
        %dma_wait3A = arith.constant 0 : i32
        %dma_wait3A_27 = tpu.memref_slice %arg7[%add3A_23, %dma_wait3A] : memref<16384x64xf32, #tpu.memory_space<hbm>> -> memref<256x64xf32, #tpu.memory_space<hbm>>
        %dma_wait3A_28 = arith.constant 0 : i32
        %dma_wait3A_29 = tpu.memref_slice %arg7[%add3A_23, %dma_wait3A_28] : memref<16384x64xf32, #tpu.memory_space<hbm>> -> memref<256x64xf32, #tpu.memory_space<hbm>>
        tpu.wait_dma2 semaphore(%run_scoped3A : memref<!tpu.dma_semaphore, #tpu.memory_space<semaphore_mem>>) src(%arg11 : memref<256x64xf32, #tpu.memory_space<vmem>>) dst(%dma_wait3A_29 : memref<256x64xf32, #tpu.memory_space<hbm>>)
        tpu.yield
      }) : () -> ()
    }
    %scan3A_6 = arith.constant 2 : i32
    return
  }
}

module attributes {stable_mosaic.version = 14 : i64} {
  func.func @_mlp_body(%arg0: i32, %arg1: memref<2048x64xf32, #tpu.memory_space<vmem>>, %arg2: memref<2048x64xf32, #tpu.memory_space<vmem>>, %arg3: memref<128x256xf32, #tpu.memory_space<vmem>>, %arg4: memref<1x256xf32, #tpu.memory_space<vmem>>, %arg5: memref<256x64xf32, #tpu.memory_space<vmem>>, %arg6: memref<1x64xf32, #tpu.memory_space<vmem>>, %arg7: memref<1x64xf32, #tpu.memory_space<vmem>>, %arg8: memref<1x1xf32, #tpu.memory_space<vmem>>, %arg9: memref<1x2048xf32, #tpu.memory_space<vmem>>) attributes {dimension_semantics = [#tpu.dimension_semantics<arbitrary>], iteration_bounds = array<i64: 8>, scalar_prefetch = 0 : i64, scratch_operands = 0 : i64, tpu.core_type = #tpu.core_type<tc>, window_params = [{transform_indices = @transform_0, window_bounds = array<i64: 2048, 64>}, {transform_indices = @transform_1, window_bounds = array<i64: 2048, 64>}, {pipeline_mode = #tpu.pipeline_mode<synchronous>, transform_indices = @transform_2, window_bounds = array<i64: 128, 256>}, {pipeline_mode = #tpu.pipeline_mode<synchronous>, transform_indices = @transform_3, window_bounds = array<i64: 1, 256>}, {pipeline_mode = #tpu.pipeline_mode<synchronous>, transform_indices = @transform_4, window_bounds = array<i64: 256, 64>}, {pipeline_mode = #tpu.pipeline_mode<synchronous>, transform_indices = @transform_5, window_bounds = array<i64: 1, 64>}, {pipeline_mode = #tpu.pipeline_mode<synchronous>, transform_indices = @transform_6, window_bounds = array<i64: 1, 64>}, {pipeline_mode = #tpu.pipeline_mode<synchronous>, transform_indices = @transform_7, window_bounds = array<i64: 1, 1>}, {transform_indices = @transform_8, window_bounds = array<i64: 1, 2048>}]} {
    %get3A = arith.constant 0 : index
    %get3A_0 = arith.constant 0 : index
    %get3A_1 = vector.load %arg1[%get3A, %get3A_0] : memref<2048x64xf32, #tpu.memory_space<vmem>>, vector<2048x64xf32>
    %get3A_2 = arith.constant 0 : index
    %get3A_3 = arith.constant 0 : index
    %get3A_4 = vector.load %arg3[%get3A_2, %get3A_3] : memref<128x256xf32, #tpu.memory_space<vmem>>, vector<64x256xf32>
    %dot_general3A = arith.constant dense<0.000000e+00> : vector<2048x256xf32>
    %dot_general3A_5 = tpu.matmul %get3A_1, %get3A_4, %dot_general3A {dimension_numbers = #tpu.dot_dimension_numbers<[1], [0], [0], [1], [0, 0, 1, 1], [], []>, transpose_lhs_hint = false} : vector<2048x64xf32>, vector<64x256xf32>, vector<2048x256xf32> -> vector<2048x256xf32>
    %get3A_6 = arith.constant 0 : index
    %get3A_7 = arith.constant 0 : index
    %get3A_8 = vector.load %arg2[%get3A_6, %get3A_7] : memref<2048x64xf32, #tpu.memory_space<vmem>>, vector<2048x64xf32>
    %get3A_9 = arith.constant 64 : index
    %get3A_10 = arith.constant 0 : index
    %get3A_11 = vector.load %arg3[%get3A_9, %get3A_10] : memref<128x256xf32, #tpu.memory_space<vmem>>, vector<64x256xf32>
    %dot_general3A_12 = arith.constant dense<0.000000e+00> : vector<2048x256xf32>
    %dot_general3A_13 = tpu.matmul %get3A_8, %get3A_11, %dot_general3A_12 {dimension_numbers = #tpu.dot_dimension_numbers<[1], [0], [0], [1], [0, 0, 1, 1], [], []>, transpose_lhs_hint = false} : vector<2048x64xf32>, vector<64x256xf32>, vector<2048x256xf32> -> vector<2048x256xf32>
    %add3A = arith.addf %dot_general3A_5, %dot_general3A_13 : vector<2048x256xf32>
    %get3A_14 = arith.constant 0 : index
    %get3A_15 = arith.constant 0 : index
    %get3A_16 = vector.load %arg4[%get3A_14, %get3A_15] : memref<1x256xf32, #tpu.memory_space<vmem>>, vector<1x256xf32>
    %add3A_17 = vector.broadcast %get3A_16 : vector<1x256xf32> to vector<2048x256xf32>
    %add3A_18 = arith.addf %add3A, %add3A_17 : vector<2048x256xf32>
    %max3A = arith.constant 0.000000e+00 : f32
    %max3A_19 = vector.broadcast %max3A : f32 to vector<2048x256xf32>
    %max3A_20 = arith.maximumf %add3A_18, %max3A_19 : vector<2048x256xf32>
    %get3A_21 = arith.constant 0 : index
    %get3A_22 = arith.constant 0 : index
    %get3A_23 = vector.load %arg5[%get3A_21, %get3A_22] : memref<256x64xf32, #tpu.memory_space<vmem>>, vector<256x64xf32>
    %dot_general3A_24 = arith.constant dense<0.000000e+00> : vector<2048x64xf32>
    %dot_general3A_25 = tpu.matmul %max3A_20, %get3A_23, %dot_general3A_24 {dimension_numbers = #tpu.dot_dimension_numbers<[1], [0], [0], [1], [0, 0, 1, 1], [], []>, transpose_lhs_hint = false} : vector<2048x256xf32>, vector<256x64xf32>, vector<2048x64xf32> -> vector<2048x64xf32>
    %get3A_26 = arith.constant 0 : index
    %get3A_27 = arith.constant 0 : index
    %get3A_28 = vector.load %arg6[%get3A_26, %get3A_27] : memref<1x64xf32, #tpu.memory_space<vmem>>, vector<1x64xf32>
    %add3A_29 = vector.broadcast %get3A_28 : vector<1x64xf32> to vector<2048x64xf32>
    %add3A_30 = arith.addf %dot_general3A_25, %add3A_29 : vector<2048x64xf32>
    %max3A_31 = arith.constant 0.000000e+00 : f32
    %max3A_32 = vector.broadcast %max3A_31 : f32 to vector<2048x64xf32>
    %max3A_33 = arith.maximumf %add3A_30, %max3A_32 : vector<2048x64xf32>
    %get3A_34 = arith.constant 0 : index
    %get3A_35 = arith.constant 0 : index
    %get3A_36 = vector.load %arg7[%get3A_34, %get3A_35] : memref<1x64xf32, #tpu.memory_space<vmem>>, vector<1x64xf32>
    %dot_general3A_37 = arith.constant dense<0.000000e+00> : vector<1x2048xf32>
    %dot_general3A_38 = tpu.matmul %get3A_36, %max3A_33, %dot_general3A_37 {dimension_numbers = #tpu.dot_dimension_numbers<[1], [1], [0], [0], [0, 0, 1, 0], [], []>, transpose_lhs_hint = false} : vector<1x64xf32>, vector<2048x64xf32>, vector<1x2048xf32> -> vector<1x2048xf32>
    %get3A_39 = arith.constant 0 : index
    %get3A_40 = arith.constant 0 : index
    %get3A_41 = vector.load %arg8[%get3A_39, %get3A_40] : memref<1x1xf32, #tpu.memory_space<vmem>>, vector<1x1xf32>
    %add3A_42 = vector.broadcast %get3A_41 : vector<1x1xf32> to vector<1x2048xf32>
    %add3A_43 = arith.addf %dot_general3A_38, %add3A_42 : vector<1x2048xf32>
    %swap3A = arith.constant 0 : index
    %swap3A_44 = arith.constant 0 : index
    %swap3A_45 = vector.load %arg9[%swap3A, %swap3A_44] : memref<1x2048xf32, #tpu.memory_space<vmem>>, vector<1x2048xf32>
    tpu.vector_store %arg9[%swap3A, %swap3A_44], %add3A_43 {strides = array<i32>} : memref<1x2048xf32, #tpu.memory_space<vmem>>, vector<1x2048xf32>,
    return
  }
  func.func @transform_0(%arg0: i32) -> (i32, i32) {
    %c0_i32 = arith.constant 0 : i32
    %c0_i32_0 = arith.constant 0 : i32
    return %arg0, %c0_i32 : i32, i32
  }
  func.func @transform_1(%arg0: i32) -> (i32, i32) {
    %c0_i32 = arith.constant 0 : i32
    %c0_i32_0 = arith.constant 0 : i32
    return %arg0, %c0_i32 : i32, i32
  }
  func.func @transform_2(%arg0: i32) -> (i32, i32) {
    %c0_i32 = arith.constant 0 : i32
    %c0_i32_0 = arith.constant 0 : i32
    %c0_i32_1 = arith.constant 0 : i32
    return %c0_i32, %c0_i32_0 : i32, i32
  }
  func.func @transform_3(%arg0: i32) -> (i32, i32) {
    %c0_i32 = arith.constant 0 : i32
    %c0_i32_0 = arith.constant 0 : i32
    %c0_i32_1 = arith.constant 0 : i32
    return %c0_i32, %c0_i32_0 : i32, i32
  }
  func.func @transform_4(%arg0: i32) -> (i32, i32) {
    %c0_i32 = arith.constant 0 : i32
    %c0_i32_0 = arith.constant 0 : i32
    %c0_i32_1 = arith.constant 0 : i32
    return %c0_i32, %c0_i32_0 : i32, i32
  }
  func.func @transform_5(%arg0: i32) -> (i32, i32) {
    %c0_i32 = arith.constant 0 : i32
    %c0_i32_0 = arith.constant 0 : i32
    %c0_i32_1 = arith.constant 0 : i32
    return %c0_i32, %c0_i32_0 : i32, i32
  }
  func.func @transform_6(%arg0: i32) -> (i32, i32) {
    %c0_i32 = arith.constant 0 : i32
    %c0_i32_0 = arith.constant 0 : i32
    %c0_i32_1 = arith.constant 0 : i32
    return %c0_i32, %c0_i32_0 : i32, i32
  }
  func.func @transform_7(%arg0: i32) -> (i32, i32) {
    %c0_i32 = arith.constant 0 : i32
    %c0_i32_0 = arith.constant 0 : i32
    %c0_i32_1 = arith.constant 0 : i32
    return %c0_i32, %c0_i32_0 : i32, i32
  }
  func.func @transform_8(%arg0: i32) -> (i32, i32) {
    %c0_i32 = arith.constant 0 : i32
    %c0_i32_0 = arith.constant 0 : i32
    return %c0_i32, %arg0 : i32, i32
  }
}

</mosaic_0001>

<sc_bundles>
// kernel: kernel.4.cloned.1.call-start
scs
__scs_entry_jumppad:
0x0: {  	(pc) =	sbr.rel $0x88, $3  }
0x1: {  	(tag) =	ssettag $0x0;
	lr =	simm.s32 $0x1  }
0x2: {  	[smem:$0x3F97] =	sst lr;
	_ =	strace $0xD0000000  }
0x3: {  	_ = 	snop  }
0x4: {  	_ = 	snop  }
0x5: {  	_ = 	snop  }
0x6: {  	_ = 	snop  }
0x7: {  	_ = 	snop  }
__scs_overlays_trampoline_lowered:
0x8: {  	[smem:$0x3FA6] =	sst s0  }
0x9: {  	[smem:$0x3FA7] =	sst s1  }
0xa: {  	[smem:$0x3FA8] =	sst s2  }
0xb: {  	[smem:$0x3FA9] =	sst s3  }
0xc: {  	[smem:$0x3FAA] =	sst s4  }
0xd: {  	[smem:$0x3FAB] =	sst s5  }
0xe: {  	[smem:$0x3FAC] =	sst s6  }
0xf: {  	[smem:$0x3FAD] =	sst s7  }
0x10: {  	[smem:$0x3FAE] =	sst s8  }
0x11: {  	[smem:$0x3FAF] =	sst s9;
	s0 =	simm.s32 @!p0 $0x0  }
0x12: {  	s1 =	sld [smem:$0x3F95];
	s0 =	simm.s32 @p0 $0x1  }
0x13: {  	[smem:$0x3FB0] =	sst s0;
	s0 =	simm.s32 @!p1 $0x0  }
0x14: {  	s2 =	sld [smem:$0x3F94];
	s0 =	simm.s32 @p1 $0x1  }
0x15: {  	[smem:$0x3FB1] =	sst s0;
	s0 =	simm.s32 @!p2 $0x0  }
0x16: {  	s3 =	sld [smem:$0x3FDB];
	s0 =	simm.s32 @p2 $0x1  }
0x17: {  	s4 =	simm.s32 $0x1BF5;
	[smem:$0x3FB3] =	sst s0  }
0x18: {  	s0 =	sld [smem:$0x3F96];
	_ =	swait.ge [sflag:s4], $0x0  }
0x19: {  	s7 =	sld [smem:$0x3F97]  }
0x1a: {  	s8 =	sadd.s32 $0xFFFFE003, lr  }
0x1b: {  	s9 =	sadd.s32 $0xFFFFFEF7, lr;
	s5 =	simm.s32 $0xFFFFFFFF;
	p2 =	slt.u32 s8, $0xFFFFF086  }
0x1c: {  	p1 =	slt.u32 s9, $0xF7A;
	s5 =	simm.s32 @!p2 $0x0  }
0x1d: {  	s5 =	simm.s32 @p1 $0x1;
	p0 =	seq.s32 s7, s2  }
0x1e: {  	s7 =	smul.u32 @!p0 $0xF7A, s2;
	p2 =	seq.s32 @!p0 s5, $0x0  }
0x1f: {  	s9 =	smul.u32 $0xF7A, s1;
	s8 =	simm.s32 @!p0 $0x1BF5;
	p2 =	por !p2, p0  }
0x20: {  	[sflag:s8] =	ssyncset.s32 @!p0 $0xFFFFF086;
	s6 =	sadd.s32 @!p0 s3, s7;
	s7 =	simm.s32 @!p0 $0x108  }
0x21: {  	s3 =	sadd.s32 s3, s9;
	s6 =	sadd.s32 @!p0 $0x88, s6;
	s7 =	simm.s32 @p2 $0x1082  }
0x22: {  	[simem:s7], [sflag:s8] =	dma.local @!p0 [hbm:s6], $0xF7A  }
0x23: {  	s9 =	sor.u32 $0xD0000000, s2;
	s6 =	simm.s32 $0x108;
	_ =	swait.ge @!p0 [sflag:s8], $0x0  }
0x24: {  	s3 =	sadd.s32 $0x88, s3;
	s6 =	simm.s32 @!p1 $0x1082;
	[sflag:s4] =	ssyncset.s32 $0xFFFFF086  }
0x25: {  	[simem:s6], [sflag:s4] =	dma.local [hbm:s3], $0xF7A  }
0x26: {  	[smem:$0x3F97] =	sst s1;
	(tag) =	ssettag s2;
	_ =	strace s9  }
0x27: {  	s1 =	sld [smem:$0x3FA7]  }
0x28: {  	s2 =	sld [smem:$0x3FA8]  }
0x29: {  	s4 =	sld [smem:$0x3FAA]  }
0x2a: {  	p0 =	seq.s32 s5, $0x0;
	s5 =	sld [smem:$0x3FAB]  }
0x2b: {  	s6 =	sld [smem:$0x3FAC]  }
0x2c: {  	s7 =	sld [smem:$0x3FAD]  }
0x2d: {  	s3 =	simm.s32 $0x108;
	s8 =	sld [smem:$0x3FAE]  }
0x2e: {  	s3 =	simm.s32 @!p0 $0x1082;
	s9 =	sld [smem:$0x3FAF]  }
0x2f: {  	lr =	sadd.s32 s0, s3;
	s0 =	sld [smem:$0x3FA6]  }
0x30: {  	s3 =	sld [smem:$0x3FA9]  }
0x31: {  	[smem:$0x3FB2] =	sst s10  }
0x32: {  	s10 =	sld [smem:$0x3FB0];
	_ =	sdelay $0x3  }
0x33: {  	p0 =	seq.s32 s10, $0x1;
	s10 =	sld [smem:$0x3FB2];
	_ =	sdelay $0x3  }
0x34: {  	[smem:$0x3FB2] =	sst s10  }
0x35: {  	s10 =	sld [smem:$0x3FB1];
	_ =	sdelay $0x3  }
0x36: {  	p1 =	seq.s32 s10, $0x1;
	s10 =	sld [smem:$0x3FB2];
	_ =	sdelay $0x3  }
0x37: {  	[smem:$0x3FB2] =	sst s10  }
0x38: {  	s10 =	sld [smem:$0x3FB3]  }
0x39: {  	_ = 	snop;
	(pc) =	sbr.ind lr, $3  }
0x3a: {  	_ = 	snop  }
0x3b: {  	_ = 	snop  }
0x3c: {  	p2 =	seq.s32 s10, $0x1;
	s10 =	sld [smem:$0x3FB2]  }
0x3d: {  	_ =	shalt  }
0x3e: {  	_ =	shalt  }
0x3f: {  	_ =	shalt  }
0x40: {  	_ =	shalt  }
0x41: {  	_ =	shalt  }
0x42: {  	_ =	shalt  }
0x43: {  	_ =	shalt  }
0x44: {  	_ =	shalt  }
0x45: {  	_ =	shalt  }
0x46: {  	_ =	shalt  }
0x47: {  	_ =	shalt  }
0x48: {  	_ =	shalt  }
0x49: {  	_ =	shalt  }
0x4a: {  	_ =	shalt  }
0x4b: {  	_ =	shalt  }
0x4c: {  	_ =	shalt  }
0x4d: {  	_ =	shalt  }
0x4e: {  	_ =	shalt  }
0x4f: {  	_ =	shalt  }
0x50: {  	_ =	shalt  }
0x51: {  	_ =	shalt  }
0x52: {  	_ =	shalt  }
0x53: {  	_ =	shalt  }
0x54: {  	_ =	shalt  }
0x55: {  	_ =	shalt  }
0x56: {  	_ =	shalt  }
0x57: {  	_ =	shalt  }
0x58: {  	_ =	shalt  }
0x59: {  	_ =	shalt  }
0x5a: {  	_ =	shalt  }
0x5b: {  	_ =	shalt  }
0x5c: {  	_ =	shalt  }
0x5d: {  	_ =	shalt  }
0x5e: {  	_ =	shalt  }
0x5f: {  	_ =	shalt  }
0x60: {  	_ =	shalt  }
0x61: {  	_ =	shalt  }
0x62: {  	_ =	shalt  }
0x63: {  	_ =	shalt  }
0x64: {  	_ =	shalt  }
0x65: {  	_ =	shalt  }
0x66: {  	_ =	shalt  }
0x67: {  	_ =	shalt  }
0x68: {  	_ =	shalt  }
0x69: {  	_ =	shalt  }
0x6a: {  	_ =	shalt  }
0x6b: {  	_ =	shalt  }
0x6c: {  	_ =	shalt  }
0x6d: {  	_ =	shalt  }
0x6e: {  	_ =	shalt  }
0x6f: {  	_ =	shalt  }
0x70: {  	_ =	shalt  }
0x71: {  	_ =	shalt  }
0x72: {  	_ =	shalt  }
0x73: {  	_ =	shalt  }
0x74: {  	_ =	shalt  }
0x75: {  	_ =	shalt  }
0x76: {  	_ =	shalt  }
0x77: {  	_ =	shalt  }
0x78: {  	_ =	shalt  }
0x79: {  	_ =	shalt  }
0x7a: {  	_ =	shalt  }
0x7b: {  	_ =	shalt  }
0x7c: {  	_ =	shalt  }
0x7d: {  	_ =	shalt  }
0x7e: {  	_ =	shalt  }
0x7f: {  	_ =	shalt  }
0x80: {  	_ =	shalt  }
0x81: {  	_ =	shalt  }
0x82: {  	_ =	shalt  }
0x83: {  	_ =	shalt  }
0x84: {  	_ =	shalt  }
0x85: {  	_ =	shalt  }
0x86: {  	_ =	shalt  }
0x87: {  	_ =	shalt  }
.Lfunc_end0:
.L_simem_size_0:
called_computation_lowered:
.L_overlay_start_0:
0x88: {  	s2 =	sld [smem:$0x3FD9]  }
0x89: {  	s3 =	sld [smem:$0x3FFE];
	_ =	sdelay $0x1  }
0x8a: {  	s1 =	srdreg.scid  }
0x8b: {  	s0 =	sand.u32 $0x1, s1  }
0x8c: {  	s17 =	sshll.u32 s0, $0xA;
	s2 =	sadd.s32 s3, s2  }
0x8d: {  	s2 =	sadd.s32 s2, s17  }
0x8e: {  	[smem:$0x3FBE] =	sst s2  }
0x8f: {  	_ = 	snop  }
0x90: {  	s2 =	sld [smem:$0x3FC9]  }
0x91: {  	s18 =	sld [smem:$0x3FC8];
	(tm) =	ssettm $0x1  }
0x92: {  	s4 =	sld [smem:$0x3FFB];
	_ =	sdelay $0x3  }
0x93: {  	_ =	strace s4  }
0x94: {  	s4 =	sld [smem:$0x3FFC];
	_ =	sdelay $0x3  }
0x95: {  	_ =	strace s4  }
0x96: {  	s4 =	sld [smem:$0x3FFD];
	_ =	sdelay $0x3  }
0x97: {  	_ =	strace s4  }
0x98: {  	_ =	strace $0x8FFFFFFF  }
0x99: {  	s19 =	sld [smem:$0x3FDB];
	_ =	sdelay $0x1  }
0x9a: {  	s5 =	simm.s32 $_scs_section_size  }
0x9b: {  	s6 =	simm.s32 $_size__tile_overlayer_lowered;
	s7 =	simm.s32 $_tile_overlayer_lowered  }
0x9c: {  	s22 =	simm.s32 $0x1BFF;
	s21 =	sshll.u32 s7, $0x1;
	s4 =	sadd.s32 s5, s19  }
0x9d: {  	s8 =	simm.s32 $0x0;
	s20 =	sshll.u32 s6, $0x1;
	s6 =	sadd.s32 s21, s4  }
0x9e: {  	[timem:s8], [sflag:s22] =	dma.local [hbm:s6], s20  }
0x9f: {  	_ =	swait.ge [sflag:s22], s20  }
0xa0: {  	s5 =	ssub.s32 $0x0, s20;
	[sflag:s22] =	ssyncset.done $0x0  }
0xa1: {  	[sflag:s22] =	ssyncadd.s32 s5;
	_ =	sdelay $0x1  }
0xa2: {  	s23 =	simm.s32 $0x1B8B  }
0xa3: {  	_ =	swait.ge [sflag:s23], $0x1  }
0xa4: {  	[sflag:s23] =	ssyncset.done $0x0  }
0xa5: {  	s25 =	simm.s32 $0x1B8E;
	s24 =	sld [smem:$0x3FFE];
	[sflag:s23] =	ssyncadd.s32 $0xFFFFFFFF  }
0xa6: {  	s26 =	simm.s32 $execute0_lowered;
	[smem:$0x3FD2] =	sst s25  }
0xa7: {  	s6 =	sshll.u32 s26, $0x1;
	_ =	strace $0x80000046;
	[dreg:$0x1] =	wrdreg $0xFFFFFFFF  }
0xa8: {  	s28 =	simm.s32 $_size_execute0_lowered;
	s4 =	sadd.s32 s4, s6;
	[dreg:$0x0] =	wrdreg $0x0  }
0xa9: {  	s6 =	sshll.u32 s28, $0x1;
	[dreg:$0x2] =	wrdreg s4  }
0xaa: {  	[dreg:$0x3] =	wrdreg s6  }
0xab: {  	[dreg:$0x4] =	wrdreg $0xC0  }
0xac: {  	_ =	task [dreg:s8], $0x5FFFF  }
0xad: {  	[dreg:$0x1] =	wrdreg $0xFFFFFFFF  }
0xae: {  	[dreg:$0x0] =	wrdreg $0x60  }
0xaf: {  	[dreg:$0x2] =	wrdreg s24  }
0xb0: {  	[dreg:$0x3] =	wrdreg s2  }
0xb1: {  	[dreg:$0x4] =	wrdreg s18  }
0xb2: {  	[dreg:$0x5] =	wrdreg $0x9  }
0xb3: {  	_ =	task.clear_ibuf [dreg:s8], $0x6FFFF;
	_ =	strace $0x90000046  }
0xb4: {  	s29 =	simm.s32 $0x9;
	_ =	strace $0x80000048  }
0xb5: {  	_ =	swait.ge [sflag:s29], $0x1  }
0xb6: {  	[sflag:s29] =	ssyncadd.s32 $0xFFFFFFFF  }
0xb7: {  	_ =	strace $0x90000048  }
0xb8: {  	_ =	sfence  }
0xb9: {  	s30 =	sld [smem:$0x0];
	_ =	sdelay $0x2  }
0xba: {  	s31 =	sshll.u32 s1, $0xD;
	s1 =	sshrl.u32 s1, $0x2  }
0xbb: {  	s3 =	sand.u32 $0x4000, s31;
	s1 =	sadd.s32 s1, s30  }
0xbc: {  	s0 =	sor.u32 s3, s0;
	s1 =	sshll.u32 s1, $0x11  }
0xbd: {  	s0 =	sor.u32 s1, s0  }
0xbe: {  	s0 =	sadd.s32 $0x8F2B, s0  }
0xbf: {  	[sflag:s0] =	ssyncadd.remote.s32 $0x1  }
0xc0: {  	_ =	sfence.sel $0xFFFF  }
0xc1: {  	[dreg:$0x0] =	wrdreg $0xFFFFFFFF;
	(pc) =	sbr.abs _section_cstart, $3  }
0xc2: {  	[dreg:$0x1] =	wrdreg $0xFFFFFFFF  }
0xc3: {  	_ =	task.clear_ibuf [dreg:s8], $0x2FFFF;
	_ =	strace $0x9FFFFFFF  }
0xc4: {  	(tm) =	ssettm $0x7FFFFFFF  }
0xc5: {  	_ =	shalt  }
tec
execute0_lowered:
.L_overlay_start_1:
0x0: {  	(tag) =	ssettag $0x1  }
0x1: {  	s0 =	rddreg [dreg:$0x0]  }
0x2: {  	s1 =	rddreg [dreg:$0x1]  }
0x3: {  	s5 =	rddreg [dreg:$0x2];
	s2 =	simm.s32 $0x0;
	s3 =	srdreg.scid  }
0x4: {  	s4 =	stileid.u32;
	s6 =	sand.u32 $0x1, s3;
	s3 =	sadd.s32 $0xF43E00, s0  }
0x5: {  	[smem:$0x7FF] =	sst s2;
	s7 =	sshll.u32 s4, $0xA;
	s28 =	sadd.s32 $0x10CAA00, s0  }
0x6: {  	s4 =	sadd.s32 $0x1800, s0;
	s0 =	sadd.s32 $0x110AA00, s0;
	s8 =	sshll.u32 s6, $0x9  }
0x7: {  	_ =	strace $0x80000047;
	[dreg:$0xe] =	wrdreg s28;
	s8 =	sor.u32 s8, s7  }
0x8: {  	s6 =	ssub.s32 $0x2, s6;
	[dreg:$0xd] =	wrdreg s8;
	s8 =	sshrl.u32 s8, $0x3  }
0x9: {  	[dreg:$0xf] =	wrdreg s0;
	s29 =	sshrl.u32 s6, $0x1;
	s1 =	sadd.s32 s1, s8  }
0xa: {  	s30 =	ssub.s32 s6, s29;
	s31 =	sadd.s32 s5, s8;
	[dreg:$0x10] =	wrdreg s1  }
0xb: {  	s0 =	smax.u32 s30, $0x1;
	[dreg:$0x11] =	wrdreg s31  }
0xc: {  	[dreg:$0x12] =	wrdreg s0;
	s1 =	simm.s32 $0x0  }
.LBB2_1:
0xd: {  	[dreg:$0x13] =	wrdreg s1  }
0xe: {  	s0 =	rddreg [dreg:$0x10];
	s30 =	simm.s32 $0x3  }
0xf: {  	[tilespmem:s2], [sflag:$0x3] =	stream.linear.gather [hbm4b:s0+s2], $0x200, $0x38;
	[tilespmem:$0x10400] =	vst v63  }
0x10: {  	_ =	swait.ge [sflag:s30], $0x200  }
0x11: {  	[sflag:s30] =	ssyncset.done $0x0  }
0x12: {  	s5 =	simm.s32 $0x200;
	s31 =	rddreg [dreg:$0x11];
	[sflag:s30] =	ssyncadd.s32 $0xFFFFFE00  }
0x13: {  	[tilespmem:s5], [sflag:$0x3] =	stream.linear.gather [hbm4b:s31+s2], $0x200, $0x38;
	[tilespmem:$0x10400] =	vst v63  }
0x14: {  	_ =	swait.ge [sflag:s30], $0x200  }
0x15: {  	[sflag:s30] =	ssyncset.done $0x0  }
0x16: {  	p1 =	por $0x1, $0x1;
	s0 =	simm.s32 $0x0;
	[sflag:s30] =	ssyncadd.s32 $0xFFFFFE00  }
.LBB2_2:
0x17: {  	s10 =	sshll.u32 s0, $0x2  }
0x18: {  	s13 =	sshra.s32 s10, $0x2  }
0x19: {  	[dreg:$0x14] =	wrdreg s0;
	s0 =	sadd.s32 $0x200, s13;
	v0 =	vld [tilespmem:s13+$0x0]  }
0x1a: {  	v2 =	vld [tilespmem:s0+$0x0];
	_ =	sdelay $0x3  }
0x1b: {  	v1 =	vshll.u32 v0, $0x4  }
0x1c: {  	v63 =	vshll.u32 v2, $0x4;
	(v2sf) =	vpush v1, $0x0  }
0x1d: {  	(v2sf) =	vpush v63, $0x0  }
0x1e: {  	(v2sf) =	vpush v1, $0x1;
	_ =	sdelay $0x1  }
0x1f: {  	(v2sf) =	vpush v63, $0x1;
	_ =	sdelay $0x2  }
0x20: {  	(v2sf) =	vpush v1, $0x2;
	_ =	sdelay $0x1  }
0x21: {  	(v2sf) =	vpush v63, $0x2;
	_ =	sdelay $0x1  }
0x22: {  	s20 =	simm.s32 $0x2000;
	s19 =	simm.s32 $0x0;
	(v2sf) =	vpush v1, $0x3  }
0x23: {  	s1 =	simm.s32 $0x8400;
	s7 =	simm.s32 $0x680;
	s6 =	simm.s32 $0x880  }
0x24: {  	s5 =	simm.s32 $0x400;
	s15 =	simm.s32 $0x480;
	s17 =	simm.s32 $0x8480;
	(v2sf) =	vpush v63, $0x3  }
0x25: {  	s22 =	simm.s32 $0x500;
	s25 =	simm.s32 $0x8500;
	s30 =	simm.s32 $0x580  }
0x26: {  	s29 =	simm.s32 $0xA00;
	s28 =	simm.s32 $0xB00;
	s9 =	spop (v2sf)  }
0x27: {  	p0 =	por p1, p1;
	s9 =	sand.u32 $0x1FFFFFF0, s9;
	s11 =	spop (v2sf)  }
0x28: {  	s10 =	simm.s32 $0x600;
	(v2sf) =	vpush v1, $0x4;
	s9 =	sadd.s32 s3, s9;
	s12 =	spop (v2sf)  }
0x29: {  	[tilespmem:s5], [sflag:$0x1] =	stream.linear.gather [hbm4b:s9+s2], $0x80, $0x38;
	[tilespmem:$0x10400] =	vst v63  }
0x2a: {  	s11 =	sand.u32 $0x1FFFFFF0, s11;
	(v2sf) =	vpush v63, $0x4;
	s5 =	simm.s32 $0x8900;
	s16 =	spop (v2sf)  }
0x2b: {  	s11 =	sadd.s32 s4, s11;
	s14 =	sand.u32 $0x1FFFFFF0, s12;
	(v2sf) =	vpush v1, $0x5;
	s9 =	sand.u32 $0x1FFFFFF0, s16  }
0x2c: {  	[tilespmem:s1], [sflag:$0x2] =	stream.linear.gather [hbm4b:s11+s2], $0x80, $0x38;
	[tilespmem:$0x10400] =	vst v63  }
0x2d: {  	(v2sf) =	vpush v63, $0x5;
	s18 =	spop (v2sf);
	s11 =	sadd.s32 s3, s14;
	s9 =	sadd.s32 s4, s9  }
0x2e: {  	[tilespmem:s15], [sflag:$0x1] =	stream.linear.gather [hbm4b:s11+s2], $0x80, $0x38;
	[tilespmem:$0x10400] =	vst v63  }
0x2f: {  	s21 =	spop (v2sf);
	(v2sf) =	vpush v1, $0x6;
	s14 =	simm.s32 $0x8580;
	s11 =	sand.u32 $0x1FFFFFF0, s18  }
0x30: {  	[tilespmem:s17], [sflag:$0x2] =	stream.linear.gather [hbm4b:s9+s2], $0x80, $0x38;
	[tilespmem:$0x10400] =	vst v63  }
0x31: {  	s24 =	sand.u32 $0x1FFFFFF0, s21;
	s26 =	spop (v2sf);
	(v2sf) =	vpush v63, $0x6;
	s23 =	sadd.s32 s3, s11  }
0x32: {  	[tilespmem:s22], [sflag:$0x1] =	stream.linear.gather [hbm4b:s23+s2], $0x80, $0x38;
	[tilespmem:$0x10400] =	vst v63  }
0x33: {  	(v2sf) =	vpush v1, $0x7;
	s31 =	spop (v2sf);
	s11 =	sadd.s32 s4, s24;
	s9 =	sand.u32 $0x1FFFFFF0, s26  }
0x34: {  	[tilespmem:s25], [sflag:$0x2] =	stream.linear.gather [hbm4b:s11+s2], $0x80, $0x38;
	[tilespmem:$0x10400] =	vst v63  }
0x35: {  	s21 =	simm.s32 $0x8600;
	s9 =	sadd.s32 s3, s9;
	s11 =	sand.u32 $0x1FFFFFF0, s31  }
0x36: {  	[tilespmem:s30], [sflag:$0x1] =	stream.linear.gather [hbm4b:s9+s2], $0x80, $0x38;
	[tilespmem:$0x10400] =	vst v63  }
0x37: {  	s26 =	simm.s32 $0x8680;
	s15 =	sadd.s32 s4, s11;
	s8 =	spop (v2sf);
	(v2sf) =	vpush v63, $0x7  }
0x38: {  	[tilespmem:s14], [sflag:$0x2] =	stream.linear.gather [hbm4b:s15+s2], $0x80, $0x38;
	[tilespmem:$0x10400] =	vst v63  }
0x39: {  	s31 =	simm.s32 $0x700;
	s16 =	sand.u32 $0x1FFFFFF0, s8;
	(v2sf) =	vpush v1, $0x8;
	s18 =	spop (v2sf)  }
0x3a: {  	s11 =	sadd.s32 s3, s16;
	(v2sf) =	vpush v63, $0x8;
	s9 =	sand.u32 $0x1FFFFFF0, s18;
	s22 =	spop (v2sf)  }
0x3b: {  	[tilespmem:s10], [sflag:$0x1] =	stream.linear.gather [hbm4b:s11+s2], $0x80, $0x38;
	[tilespmem:$0x10400] =	vst v63  }
0x3c: {  	s9 =	sadd.s32 s4, s9;
	s11 =	sand.u32 $0x1FFFFFF0, s22;
	s23 =	spop (v2sf);
	(v2sf) =	vpush v1, $0x9  }
0x3d: {  	[tilespmem:s21], [sflag:$0x2] =	stream.linear.gather [hbm4b:s9+s2], $0x80, $0x38;
	[tilespmem:$0x10400] =	vst v63  }
0x3e: {  	s24 =	sadd.s32 s3, s11;
	s25 =	sand.u32 $0x1FFFFFF0, s23;
	s30 =	spop (v2sf);
	(v2sf) =	vpush v63, $0x9  }
0x3f: {  	(v2sf) =	vpush v1, $0xA;
	[tilespmem:s7], [sflag:$0x1] =	stream.linear.gather [hbm4b:s24+s2], $0x80, $0x38;
	[tilespmem:$0x10400] =	vst v63  }
0x40: {  	s10 =	sadd.s32 s4, s25;
	s9 =	sand.u32 $0x1FFFFFF0, s30;
	s1 =	spop (v2sf)  }
0x41: {  	[tilespmem:s26], [sflag:$0x2] =	stream.linear.gather [hbm4b:s10+s2], $0x80, $0x38;
	[tilespmem:$0x10400] =	vst v63  }
0x42: {  	s9 =	sadd.s32 s3, s9;
	s8 =	spop (v2sf);
	s10 =	sand.u32 $0x1FFFFFF0, s1  }
0x43: {  	(v2sf) =	vpush v63, $0xA;
	[tilespmem:s31], [sflag:$0x1] =	stream.linear.gather [hbm4b:s9+s2], $0x80, $0x38;
	[tilespmem:$0x10400] =	vst v63  }
0x44: {  	s14 =	sand.u32 $0x1FFFFFF0, s8;
	s10 =	sadd.s32 s4, s10;
	s9 =	simm.s32 $0x8700  }
0x45: {  	[tilespmem:s9], [sflag:$0x2] =	stream.linear.gather [hbm4b:s10+s2], $0x80, $0x38;
	[tilespmem:$0x10400] =	vst v63  }
0x46: {  	s15 =	simm.s32 $0x780;
	s10 =	sadd.s32 s3, s14;
	s16 =	spop (v2sf)  }
0x47: {  	(v2sf) =	vpush v1, $0xB;
	[tilespmem:s15], [sflag:$0x1] =	stream.linear.gather [hbm4b:s10+s2], $0x80, $0x38;
	[tilespmem:$0x10400] =	vst v63  }
0x48: {  	s18 =	simm.s32 $0x8780;
	s9 =	sand.u32 $0x1FFFFFF0, s16;
	s21 =	spop (v2sf)  }
0x49: {  	(v2sf) =	vpush v63, $0xB;
	s9 =	sadd.s32 s4, s9;
	s10 =	sand.u32 $0x1FFFFFF0, s21;
	s22 =	spop (v2sf)  }
0x4a: {  	[tilespmem:s18], [sflag:$0x2] =	stream.linear.gather [hbm4b:s9+s2], $0x80, $0x38;
	[tilespmem:$0x10400] =	vst v63  }
0x4b: {  	s23 =	simm.s32 $0x800;
	s24 =	sadd.s32 s3, s10;
	s30 =	spop (v2sf)  }
0x4c: {  	[tilespmem:s23], [sflag:$0x1] =	stream.linear.gather [hbm4b:s24+s2], $0x80, $0x38;
	[tilespmem:$0x10400] =	vst v63  }
0x4d: {  	s26 =	simm.s32 $0x8800;
	s25 =	sand.u32 $0x1FFFFFF0, s22;
	s1 =	spop (v2sf)  }
0x4e: {  	(v2sf) =	vpush v1, $0xC;
	s10 =	sadd.s32 s4, s25;
	s9 =	sand.u32 $0x1FFFFFF0, s30;
	s8 =	spop (v2sf)  }
0x4f: {  	(v2sf) =	vpush v63, $0xC;
	[tilespmem:s26], [sflag:$0x2] =	stream.linear.gather [hbm4b:s10+s2], $0x80, $0x38;
	[tilespmem:$0x10400] =	vst v63  }
0x50: {  	s9 =	sadd.s32 s3, s9;
	s10 =	sand.u32 $0x1FFFFFF0, s1;
	s15 =	sand.u32 $0x1FFFFFF0, s8  }
0x51: {  	[tilespmem:s6], [sflag:$0x1] =	stream.linear.gather [hbm4b:s9+s2], $0x80, $0x38;
	[tilespmem:$0x10400] =	vst v63  }
0x52: {  	s18 =	spop (v2sf);
	s14 =	sadd.s32 s4, s10;
	s9 =	simm.s32 $0x8880  }
0x53: {  	[tilespmem:s9], [sflag:$0x2] =	stream.linear.gather [hbm4b:s14+s2], $0x80, $0x38;
	[tilespmem:$0x10400] =	vst v63  }
0x54: {  	s16 =	simm.s32 $0x900;
	s10 =	sadd.s32 s3, s15;
	s21 =	sand.u32 $0x1FFFFFF0, s18  }
0x55: {  	[tilespmem:s16], [sflag:$0x1] =	stream.linear.gather [hbm4b:s10+s2], $0x80, $0x38;
	[tilespmem:$0x10400] =	vst v63  }
0x56: {  	s12 =	simm.s32 $0xA80;
	s6 =	sadd.s32 s4, s21;
	s22 =	spop (v2sf)  }
0x57: {  	[tilespmem:s5], [sflag:$0x2] =	stream.linear.gather [hbm4b:s6+s2], $0x80, $0x38;
	[tilespmem:$0x10400] =	vst v63  }
0x58: {  	s17 =	simm.s32 $0x8A00;
	s1 =	sand.u32 $0x1FFFFFF0, s22;
	s23 =	spop (v2sf)  }
0x59: {  	s24 =	simm.s32 $0x980;
	(v2sf) =	vpush v1, $0xD;
	s25 =	sadd.s32 s3, s1;
	s26 =	sand.u32 $0x1FFFFFF0, s23  }
0x5a: {  	(v2sf) =	vpush v63, $0xD;
	[tilespmem:s24], [sflag:$0x1] =	stream.linear.gather [hbm4b:s25+s2], $0x80, $0x38;
	[tilespmem:$0x10400] =	vst v63  }
0x5b: {  	s31 =	simm.s32 $0x8980;
	s9 =	simm.s32 $0x8A80;
	(v2sf) =	vpush v1, $0xE;
	s30 =	sadd.s32 s4, s26  }
0x5c: {  	(v2sf) =	vpush v63, $0xE;
	[tilespmem:s31], [sflag:$0x2] =	stream.linear.gather [hbm4b:s30+s2], $0x80, $0x38;
	[tilespmem:$0x10400] =	vst v63  }
0x5d: {  	s23 =	sadd.s32 $0x10, s13;
	s24 =	sadd.s32 $0x10, s0;
	(v2sf) =	vpush v1, $0xF;
	s31 =	spop (v2sf)  }
0x5e: {  	s26 =	simm.s32 $0x8B00;
	(v2sf) =	vpush v63, $0xF;
	s0 =	sand.u32 $0x1FFFFFF0, s31;
	s5 =	spop (v2sf)  }
.LBB2_3:
0x5f: {  	_ =	sdelay $0x4  }
0x60: {  	s0 =	sadd.s32 s3, s0;
	s5 =	sand.u32 $0x1FFFFFF0, s5  }
0x61: {  	[tilespmem:s29], [sflag:$0x1] =	stream.linear.gather [hbm4b:s0+s2], $0x80, $0x38;
	[tilespmem:$0x10400] =	vst v63  }
0x62: {  	s15 =	sadd.s32 s4, s5  }
0x63: {  	[tilespmem:s17], [sflag:$0x2] =	stream.linear.gather [hbm4b:s15+s2], $0x80, $0x38;
	[tilespmem:$0x10400] =	vst v63  }
0x64: {  	s6 =	spop (v2sf)  }
0x65: {  	s16 =	sand.u32 $0x1FFFFFF0, s6;
	s18 =	spop (v2sf)  }
0x66: {  	s21 =	sadd.s32 s3, s16;
	s1 =	sand.u32 $0x1FFFFFF0, s18;
	s22 =	spop (v2sf)  }
0x67: {  	[tilespmem:s12], [sflag:$0x1] =	stream.linear.gather [hbm4b:s21+s2], $0x80, $0x38;
	[tilespmem:$0x10400] =	vst v63  }
0x68: {  	s25 =	sadd.s32 s4, s1;
	s30 =	sand.u32 $0x1FFFFFF0, s22;
	s31 =	spop (v2sf)  }
0x69: {  	[tilespmem:s9], [sflag:$0x2] =	stream.linear.gather [hbm4b:s25+s2], $0x80, $0x38;
	[tilespmem:$0x10400] =	vst v63  }
0x6a: {  	s1 =	sadd.s32 s3, s30;
	s5 =	sand.u32 $0x1FFFFFF0, s31;
	s6 =	spop (v2sf)  }
0x6b: {  	[tilespmem:s28], [sflag:$0x1] =	stream.linear.gather [hbm4b:s1+s2], $0x80, $0x38;
	[tilespmem:$0x10400] =	vst v63  }
0x6c: {  	s7 =	sadd.s32 s4, s5;
	s8 =	sand.u32 $0x1FFFFFF0, s6;
	s9 =	spop (v2sf)  }
0x6d: {  	[tilespmem:s26], [sflag:$0x2] =	stream.linear.gather [hbm4b:s7+s2], $0x80, $0x38;
	[tilespmem:$0x10400] =	vst v63  }
0x6e: {  	s10 =	sadd.s32 $0xB80, s19;
	s5 =	sand.u32 $0x1FFFFFF0, s9;
	s1 =	sadd.s32 s3, s8  }
0x6f: {  	[tilespmem:s10], [sflag:$0x1] =	stream.linear.gather [hbm4b:s1+s2], $0x80, $0x38;
	[tilespmem:$0x10400] =	vst v63  }
0x70: {  	s11 =	sadd.s32 $0x8B80, s19;
	s12 =	sadd.s32 s4, s5  }
0x71: {  	[tilespmem:s11], [sflag:$0x2] =	stream.linear.gather [hbm4b:s12+s2], $0x80, $0x38;
	[tilespmem:$0x10400] =	vst v63  }
0x72: {  	v0 =	vld [tilespmem:s23+$0x0];
	_ =	sdelay $0x1  }
0x73: {  	v2 =	vld [tilespmem:s24+$0x0];
	_ =	sdelay $0x2  }
0x74: {  	v1 =	vshll.u32 v0, $0x4  }
0x75: {  	(v2sf) =	vpush v1, $0x0  }
0x76: {  	s13 =	smov.u32 s20;
	v63 =	vshll.u32 v2, $0x4  }
0x77: {  	s19 =	sshra.s32 s13, $0x2;
	(v2sf) =	vpush v63, $0x0  }
0x78: {  	p1 =	sne.s32 s20, $0x1E000;
	s20 =	sadd.s32 $0x2000, s20;
	s0 =	sadd.s32 $0x680, s19;
	(v2sf) =	vpush v1, $0x1  }
0x79: {  	s14 =	sadd.s32 $0x880, s19;
	s13 =	sadd.s32 $0x8580, s19;
	[dreg:$0xc] =	wrdreg s0  }
0x7a: {  	s29 =	sadd.s32 $0xA00, s19;
	[dreg:$0x6] =	wrdreg s14;
	s15 =	sadd.s32 $0x8900, s19;
	(v2sf) =	vpush v63, $0x1  }
0x7b: {  	s14 =	sadd.s32 $0x580, s19;
	s17 =	sadd.s32 $0x8A00, s19;
	s0 =	sadd.s32 $0x8500, s19  }
0x7c: {  	[dreg:$0x4] =	wrdreg s15;
	s15 =	sadd.s32 $0x8780, s19;
	s16 =	sadd.s32 $0x8880, s19;
	(v2sf) =	vpush v1, $0x2  }
0x7d: {  	s18 =	sadd.s32 $0x8600, s19;
	s21 =	sadd.s32 $0x500, s19;
	[dreg:$0x8] =	wrdreg s16  }
0x7e: {  	s22 =	sadd.s32 $0x900, s19;
	s16 =	sadd.s32 $0x780, s19;
	s31 =	sadd.s32 $0x8400, s19;
	(v2sf) =	vpush v63, $0x2  }
0x7f: {  	s30 =	sadd.s32 $0x8480, s19;
	[dreg:$0x7] =	wrdreg s22;
	s25 =	sadd.s32 $0x8800, s19  }
0x80: {  	s6 =	sadd.s32 $0x700, s19;
	s9 =	sadd.s32 $0x8A80, s19;
	[dreg:$0xa] =	wrdreg s25;
	(v2sf) =	vpush v1, $0x3  }
0x81: {  	s5 =	sadd.s32 $0xA80, s19;
	s8 =	sadd.s32 $0x8980, s19;
	s28 =	sadd.s32 $0xB00, s19  }
0x82: {  	[dreg:$0x5] =	wrdreg s8;
	s7 =	sadd.s32 $0x8680, s19;
	s26 =	sadd.s32 $0x800, s19;
	(v2sf) =	vpush v63, $0x3  }
0x83: {  	[dreg:$0xb] =	wrdreg s26;
	s26 =	sadd.s32 $0x8B00, s19;
	s1 =	sadd.s32 $0x400, s19;
	(v2sf) =	vpush v1, $0x4  }
0x84: {  	s10 =	sadd.s32 $0x8700, s19;
	s11 =	sadd.s32 $0x600, s19;
	s22 =	spop (v2sf)  }
0x85: {  	s12 =	sadd.s32 $0x480, s19;
	s8 =	sand.u32 $0x1FFFFFF0, s22;
	s22 =	sadd.s32 $0x980, s19  }
0x86: {  	s23 =	sadd.s32 $0x10, s23;
	s25 =	spop (v2sf);
	[dreg:$0x9] =	wrdreg s22  }
0x87: {  	(v2sf) =	vpush v63, $0x4;
	s8 =	sadd.s32 s3, s8;
	s22 =	sand.u32 $0x1FFFFFF0, s25;
	s25 =	spop (v2sf)  }
0x88: {  	[tilespmem:s1], [sflag:$0x1] =	stream.linear.gather [hbm4b:s8+s2], $0x80, $0x38;
	[tilespmem:$0x10400] =	vst v63  }
0x89: {  	(v2sf) =	vpush v1, $0x5;
	s8 =	sadd.s32 s4, s22;
	s22 =	sand.u32 $0x1FFFFFF0, s25;
	s25 =	spop (v2sf)  }
0x8a: {  	[tilespmem:s31], [sflag:$0x2] =	stream.linear.gather [hbm4b:s8+s2], $0x80, $0x38;
	[tilespmem:$0x10400] =	vst v63  }
0x8b: {  	(v2sf) =	vpush v63, $0x5;
	s25 =	sand.u32 $0x1FFFFFF0, s25;
	s8 =	sadd.s32 s3, s22;
	s31 =	spop (v2sf)  }
0x8c: {  	[tilespmem:s12], [sflag:$0x1] =	stream.linear.gather [hbm4b:s8+s2], $0x80, $0x38;
	[tilespmem:$0x10400] =	vst v63  }
0x8d: {  	(v2sf) =	vpush v1, $0x6;
	s22 =	spop (v2sf);
	s8 =	sadd.s32 s4, s25;
	s12 =	sand.u32 $0x1FFFFFF0, s31  }
0x8e: {  	[tilespmem:s30], [sflag:$0x2] =	stream.linear.gather [hbm4b:s8+s2], $0x80, $0x38;
	[tilespmem:$0x10400] =	vst v63  }
0x8f: {  	s24 =	sadd.s32 $0x10, s24;
	(v2sf) =	vpush v63, $0x6;
	s31 =	spop (v2sf);
	s25 =	sadd.s32 s3, s12  }
0x90: {  	[tilespmem:s21], [sflag:$0x1] =	stream.linear.gather [hbm4b:s25+s2], $0x80, $0x38;
	[tilespmem:$0x10400] =	vst v63  }
0x91: {  	(v2sf) =	vpush v1, $0x7;
	s12 =	smov.u32 s5;
	s30 =	sand.u32 $0x1FFFFFF0, s22;
	s25 =	spop (v2sf)  }
0x92: {  	s22 =	sand.u32 $0x1FFFFFF0, s31;
	s21 =	sadd.s32 s4, s30;
	s5 =	spop (v2sf)  }
0x93: {  	(v2sf) =	vpush v63, $0x7;
	[tilespmem:s0], [sflag:$0x2] =	stream.linear.gather [hbm4b:s21+s2], $0x80, $0x38;
	[tilespmem:$0x10400] =	vst v63  }
0x94: {  	s30 =	sadd.s32 s3, s22;
	s31 =	sand.u32 $0x1FFFFFF0, s25;
	s21 =	sand.u32 $0x1FFFFFF0, s5  }
0x95: {  	(v2sf) =	vpush v1, $0x8;
	[tilespmem:s14], [sflag:$0x1] =	stream.linear.gather [hbm4b:s30+s2], $0x80, $0x38;
	[tilespmem:$0x10400] =	vst v63  }
0x96: {  	s25 =	sadd.s32 s3, s21;
	s14 =	sadd.s32 s4, s31;
	s22 =	spop (v2sf)  }
0x97: {  	(v2sf) =	vpush v63, $0x8;
	[tilespmem:s13], [sflag:$0x2] =	stream.linear.gather [hbm4b:s14+s2], $0x80, $0x38;
	[tilespmem:$0x10400] =	vst v63  }
0x98: {  	s30 =	sand.u32 $0x1FFFFFF0, s22;
	s31 =	spop (v2sf);
	s22 =	rddreg [dreg:$0xc]  }
0x99: {  	[tilespmem:s11], [sflag:$0x1] =	stream.linear.gather [hbm4b:s25+s2], $0x80, $0x38;
	[tilespmem:$0x10400] =	vst v63  }
0x9a: {  	(v2sf) =	vpush v1, $0x9;
	s5 =	sadd.s32 s4, s30;
	s13 =	spop (v2sf);
	s11 =	sand.u32 $0x1FFFFFF0, s31  }
0x9b: {  	(v2sf) =	vpush v63, $0x9;
	[tilespmem:s18], [sflag:$0x2] =	stream.linear.gather [hbm4b:s5+s2], $0x80, $0x38;
	[tilespmem:$0x10400] =	vst v63  }
0x9c: {  	s14 =	sadd.s32 s3, s11;
	s21 =	spop (v2sf);
	s18 =	sand.u32 $0x1FFFFFF0, s13  }
0x9d: {  	[tilespmem:s22], [sflag:$0x1] =	stream.linear.gather [hbm4b:s14+s2], $0x80, $0x38;
	[tilespmem:$0x10400] =	vst v63  }
0x9e: {  	s30 =	sand.u32 $0x1FFFFFF0, s21;
	s31 =	spop (v2sf);
	s25 =	sadd.s32 s4, s18  }
0x9f: {  	(v2sf) =	vpush v1, $0xA;
	[tilespmem:s7], [sflag:$0x2] =	stream.linear.gather [hbm4b:s25+s2], $0x80, $0x38;
	[tilespmem:$0x10400] =	vst v63  }
0xa0: {  	s5 =	sadd.s32 s3, s30;
	s8 =	spop (v2sf);
	s7 =	sand.u32 $0x1FFFFFF0, s31  }
0xa1: {  	(v2sf) =	vpush v63, $0xA;
	[tilespmem:s6], [sflag:$0x1] =	stream.linear.gather [hbm4b:s5+s2], $0x80, $0x38;
	[tilespmem:$0x10400] =	vst v63  }
0xa2: {  	s13 =	sand.u32 $0x1FFFFFF0, s8;
	s11 =	sadd.s32 s4, s7;
	s14 =	spop (v2sf)  }
0xa3: {  	[tilespmem:s10], [sflag:$0x2] =	stream.linear.gather [hbm4b:s11+s2], $0x80, $0x38;
	[tilespmem:$0x10400] =	vst v63  }
0xa4: {  	s18 =	sadd.s32 s3, s13;
	s21 =	sand.u32 $0x1FFFFFF0, s14;
	s22 =	spop (v2sf)  }
0xa5: {  	(v2sf) =	vpush v1, $0xB;
	[tilespmem:s16], [sflag:$0x1] =	stream.linear.gather [hbm4b:s18+s2], $0x80, $0x38;
	[tilespmem:$0x10400] =	vst v63  }
0xa6: {  	s25 =	sadd.s32 s4, s21;
	s30 =	sand.u32 $0x1FFFFFF0, s22;
	s31 =	spop (v2sf)  }
0xa7: {  	(v2sf) =	vpush v63, $0xB;
	s22 =	rddreg [dreg:$0x6];
	s6 =	sadd.s32 s3, s30;
	s7 =	sand.u32 $0x1FFFFFF0, s31  }
0xa8: {  	(v2sf) =	vpush v1, $0xC;
	[tilespmem:s15], [sflag:$0x2] =	stream.linear.gather [hbm4b:s25+s2], $0x80, $0x38;
	[tilespmem:$0x10400] =	vst v63  }
0xa9: {  	s10 =	rddreg [dreg:$0xb];
	s8 =	spop (v2sf);
	s11 =	sadd.s32 s4, s7  }
0xaa: {  	(v2sf) =	vpush v63, $0xC;
	s13 =	sand.u32 $0x1FFFFFF0, s8;
	s14 =	spop (v2sf);
	s15 =	rddreg [dreg:$0xa]  }
0xab: {  	[tilespmem:s10], [sflag:$0x1] =	stream.linear.gather [hbm4b:s6+s2], $0x80, $0x38;
	[tilespmem:$0x10400] =	vst v63  }
0xac: {  	s7 =	rddreg [dreg:$0x8];
	s16 =	sadd.s32 s3, s13;
	s18 =	sand.u32 $0x1FFFFFF0, s14  }
0xad: {  	[tilespmem:s15], [sflag:$0x2] =	stream.linear.gather [hbm4b:s11+s2], $0x80, $0x38;
	[tilespmem:$0x10400] =	vst v63  }
0xae: {  	s13 =	rddreg [dreg:$0x7];
	s21 =	spop (v2sf);
	s25 =	sadd.s32 s4, s18  }
0xaf: {  	[tilespmem:s22], [sflag:$0x1] =	stream.linear.gather [hbm4b:s16+s2], $0x80, $0x38;
	[tilespmem:$0x10400] =	vst v63  }
0xb0: {  	s18 =	rddreg [dreg:$0x4];
	s30 =	sand.u32 $0x1FFFFFF0, s21;
	s31 =	spop (v2sf)  }
0xb1: {  	[tilespmem:s7], [sflag:$0x2] =	stream.linear.gather [hbm4b:s25+s2], $0x80, $0x38;
	[tilespmem:$0x10400] =	vst v63  }
0xb2: {  	s8 =	sadd.s32 s3, s30;
	s10 =	sand.u32 $0x1FFFFFF0, s31;
	s30 =	rddreg [dreg:$0x9]  }
0xb3: {  	[tilespmem:s13], [sflag:$0x1] =	stream.linear.gather [hbm4b:s8+s2], $0x80, $0x38;
	[tilespmem:$0x10400] =	vst v63  }
0xb4: {  	s11 =	spop (v2sf);
	s31 =	rddreg [dreg:$0x5];
	s14 =	sadd.s32 s4, s10  }
0xb5: {  	(v2sf) =	vpush v1, $0xD;
	[tilespmem:s18], [sflag:$0x2] =	stream.linear.gather [hbm4b:s14+s2], $0x80, $0x38;
	[tilespmem:$0x10400] =	vst v63  }
.Ltmp0:
0xb6: {  	(v2sf) =	vpush v63, $0xD;
	s15 =	sand.u32 $0x1FFFFFF0, s11;
	s16 =	spop (v2sf);
	(pc) =	sbr.rel @p1 .LBB2_3-.Ltmp0, $4  }
0xb7: {  	(v2sf) =	vpush v1, $0xE;
	s21 =	sadd.s32 s3, s15;
	s22 =	sand.u32 $0x1FFFFFF0, s16;
	s25 =	spop (v2sf)  }
0xb8: {  	(v2sf) =	vpush v63, $0xE;
	[tilespmem:s30], [sflag:$0x1] =	stream.linear.gather [hbm4b:s21+s2], $0x80, $0x38;
	[tilespmem:$0x10400] =	vst v63  }
0xb9: {  	(v2sf) =	vpush v1, $0xF;
	s1 =	sadd.s32 s4, s22;
	s0 =	sand.u32 $0x1FFFFFF0, s25;
	s5 =	spop (v2sf)  }
0xba: {  	(v2sf) =	vpush v63, $0xF;
	[tilespmem:s31], [sflag:$0x2] =	stream.linear.gather [hbm4b:s1+s2], $0x80, $0x38;
	[tilespmem:$0x10400] =	vst v63  }
0xbb: {  	_ =	sdelay $0x4  }
0xbc: {  	s0 =	sadd.s32 s3, s0;
	s1 =	sand.u32 $0x1FFFFFF0, s5  }
0xbd: {  	[tilespmem:s29], [sflag:$0x1] =	stream.linear.gather [hbm4b:s0+s2], $0x80, $0x38;
	[tilespmem:$0x10400] =	vst v63  }
0xbe: {  	s10 =	sadd.s32 s4, s1  }
0xbf: {  	[tilespmem:s17], [sflag:$0x2] =	stream.linear.gather [hbm4b:s10+s2], $0x80, $0x38;
	[tilespmem:$0x10400] =	vst v63  }
0xc0: {  	s8 =	spop (v2sf)  }
0xc1: {  	s11 =	sand.u32 $0x1FFFFFF0, s8;
	s13 =	spop (v2sf)  }
0xc2: {  	s14 =	sadd.s32 s3, s11;
	s15 =	sand.u32 $0x1FFFFFF0, s13;
	s16 =	spop (v2sf)  }
0xc3: {  	[tilespmem:s12], [sflag:$0x1] =	stream.linear.gather [hbm4b:s14+s2], $0x80, $0x38;
	[tilespmem:$0x10400] =	vst v63  }
0xc4: {  	s17 =	sadd.s32 s4, s15;
	s18 =	sand.u32 $0x1FFFFFF0, s16;
	s20 =	spop (v2sf)  }
0xc5: {  	[tilespmem:s9], [sflag:$0x2] =	stream.linear.gather [hbm4b:s17+s2], $0x80, $0x38;
	[tilespmem:$0x10400] =	vst v63  }
0xc6: {  	s21 =	sadd.s32 s3, s18;
	s22 =	sand.u32 $0x1FFFFFF0, s20;
	s23 =	spop (v2sf)  }
0xc7: {  	[tilespmem:s28], [sflag:$0x1] =	stream.linear.gather [hbm4b:s21+s2], $0x80, $0x38;
	[tilespmem:$0x10400] =	vst v63  }
0xc8: {  	s24 =	sadd.s32 s4, s22;
	s25 =	sand.u32 $0x1FFFFFF0, s23;
	s28 =	spop (v2sf)  }
0xc9: {  	[tilespmem:s26], [sflag:$0x2] =	stream.linear.gather [hbm4b:s24+s2], $0x80, $0x38;
	[tilespmem:$0x10400] =	vst v63  }
0xca: {  	s29 =	sadd.s32 $0xB80, s19;
	s1 =	sadd.s32 s3, s25;
	s5 =	sand.u32 $0x1FFFFFF0, s28  }
0xcb: {  	[tilespmem:s29], [sflag:$0x1] =	stream.linear.gather [hbm4b:s1+s2], $0x80, $0x38;
	[tilespmem:$0x10400] =	vst v63  }
0xcc: {  	s30 =	sadd.s32 $0x8B80, s19;
	s31 =	sadd.s32 s4, s5;
	s1 =	simm.s32 $0x1  }
0xcd: {  	[tilespmem:s30], [sflag:$0x2] =	stream.linear.gather [hbm4b:s31+s2], $0x80, $0x38;
	[tilespmem:$0x10400] =	vst v63  }
0xce: {  	_ =	swait.ge [sflag:s1], $0x80  }
0xcf: {  	[sflag:s1] =	ssyncset.done $0x0  }
0xd0: {  	s5 =	simm.s32 $0x2;
	[sflag:s1] =	ssyncadd.s32 $0xFFFFFF80  }
0xd1: {  	_ =	swait.ge [sflag:s5], $0x80  }
0xd2: {  	s0 =	simm.s32 $0xFF;
	[sflag:s5] =	ssyncset.done $0x0  }
.LBB2_5:
0xd3: {  	p1 =	sne.s32 s0, $0x1;
	s0 =	sadd.s32 $0xFFFFFFFF, s0;
	[sflag:s5] =	ssyncadd.s32 $0xFFFFFF80  }
.Ltmp1:
0xd4: {  	_ =	swait.ge [sflag:s1], $0x80;
	(pc) =	sbr.rel @p1 .LBB2_5-.Ltmp1, $4  }
0xd5: {  	[sflag:s1] =	ssyncset.done $0x0  }
0xd6: {  	[sflag:s1] =	ssyncadd.s32 $0xFFFFFF80  }
0xd7: {  	_ =	swait.ge [sflag:s5], $0x80  }
0xd8: {  	[sflag:s5] =	ssyncset.done $0x0  }
0xd9: {  	s0 =	rddreg [dreg:$0xd]  }
0xda: {  	s1 =	rddreg [dreg:$0x14]  }
0xdb: {  	s0 =	sor.u32 s0, s1  }
0xdc: {  	[sflag:s5] =	ssyncadd.s32 $0xFFFFFF80;
	s26 =	rddreg [dreg:$0xe];
	s0 =	sshll.u32 s0, $0x4  }
0xdd: {  	s28 =	simm.s32 $0x400;
	s29 =	simm.s32 $0x3;
	s1 =	sadd.s32 s26, s0  }
0xde: {  	[hbm4b:s1+s2] =	stream.linear.scatter [tilespmem:s28], [sflag:$0x3], $0x8000, $0x38;
	[tilespmem:$0x10400] =	vst v63  }
0xdf: {  	_ =	swait.ge [sflag:s29], $0x8000  }
0xe0: {  	s31 =	simm.s32 $0x8400;
	[sflag:s29] =	ssyncset.done $0x0;
	s30 =	rddreg [dreg:$0xf]  }
.Ltmp2:
0xe1: {  	[sflag:s29] =	ssyncadd.s32 $0xFFFF8000;
	s0 =	sadd.s32 s30, s0;
	(pc) =	sbr.rel @p0 .LBB2_2-.Ltmp2, $4  }
0xe2: {  	[hbm4b:s0+s2] =	stream.linear.scatter [tilespmem:s31], [sflag:$0x3], $0x8000, $0x38;
	[tilespmem:$0x10400] =	vst v63  }
0xe3: {  	_ =	swait.ge [sflag:s29], $0x8000  }
0xe4: {  	[sflag:s29] =	ssyncset.done $0x0  }
0xe5: {  	p1 =	por $0x0, $0x0;
	s0 =	simm.s32 $0x100;
	[sflag:s29] =	ssyncadd.s32 $0xFFFF8000  }
0xe6: {  	s1 =	rddreg [dreg:$0x13]  }
0xe7: {  	s0 =	rddreg [dreg:$0x12];
	s1 =	sadd.s32 $0x1, s1  }
0xe8: {  	p0 =	sne.s32 s1, s0  }
.Ltmp3:
0xe9: {  	_ = 	snop;
	(pc) =	sbr.rel @p0 .LBB2_1-.Ltmp3, $1  }
0xea: {  	_ =	sdelay $0x3  }
0xeb: {  	_ =	sfence.sel $0x180000  }
0xec: {  	[bflag:$0x0] =	sbarrier.arrive $0xFFFF  }
0xed: {  	_ =	strace $0x90000047  }
0xee: {  	s0 =	stileid.u32;
	[bflag:$0x2] =	sbarrier.arrive $0xFFFF  }
0xef: {  	p0 =	sne.s32 s0, $0x0;
	s0 =	rddreg [dreg:$0x3]  }
0xf0: {  	s0 =	sadd.s32 @!p0 $0x100000, s0  }
0xf1: {  	[sflag:s0] =	ssyncadd.tile.s32 @!p0 $0x1;
	_ =	shalt  }
.Lfunc_end2:
_tile_overlayer_lowered:
.L_overlay_start_2:
0xf2: {  	(tag) =	ssettag $0x2  }
0xf3: {  	s0 =	rddreg [dreg:$0x0];
	s2 =	stileid.u32  }
0xf4: {  	s1 =	rddreg [dreg:$0x1];
	p0 =	sne.s32 s2, $0x0  }
0xf5: {  	s3 =	rddreg [dreg:$0x2];
	[bflag:$0x3] =	sbarrier.arrive $0xFFFF;
	s2 =	simm.s32 @!p0 $0x1C03  }
0xf6: {  	[timem:s3], [sflag:s2] =	dma.local @!p0 [hbm:s0], s1  }
0xf7: {  	s0 =	simm.s32 @!p0 $0x3  }
0xf8: {  	_ =	swait.ge @!p0 [sflag:s0], s1  }
0xf9: {  	s1 =	ssub.s32 @!p0 $0x0, s1;
	[sflag:s0] =	ssyncset.done @!p0 $0x0  }
0xfa: {  	[sflag:s0] =	ssyncadd.s32 @!p0 s1  }
0xfb: {  	[bflag:$0x3] =	sbarrier.arrive $0xFFFF  }
0xfc: {  	_ =	shalt  }

</sc_bundles>
